<compile_context>
chip_gen: v7x
topology: tpu7x:2x2x1
jax: 0.10.2.dev20260603
libtpu: 0.0.44.dev20260713+nightly
codegen_flags: <defaults>
</compile_context>

<pallas_src>
import jax
import jax.numpy as jnp
from jax import lax
from jax.experimental import pallas as pl
from jax.experimental.pallas import tpu as pltpu
from jax.experimental.pallas import tpu_sc as plsc

VOCAB = 100000
FUSION_VOCAB = 1024
D = 128
L = 16
NC, NS = 2, 16
NW = NC * NS
N_TOKENS = 4 * 8192
TPW = N_TOKENS // NW
CH = 256
N_CH = TPW // CH
NBUF = 3
GPC = CH // L
GROUPS = TPW // L
CGROUPS = GROUPS + 1


def _body(ids_hbm, emb_hbm, fus_hbm, out_hbm,
          idx_v, midx_v, rows, cpos, cfus, frow,
          sems, sem_f):
    wid = lax.axis_index("s") * NC + lax.axis_index("c")
    base = wid * TPW
    pltpu.sync_copy(ids_hbm.at[pl.ds(base, TPW)], idx_v)

    lanes = lax.iota(jnp.int32, L)

    def grp(i, cnt):
        idxv = idx_v[pl.ds(i * L, L)]
        isfus = idxv >= VOCAB
        midx_v[pl.ds(i * L, L)] = jnp.where(isfus, 0, idxv)
        posv = cnt + plsc.cumsum(jnp.where(isfus, 1, 0)) - 1
        rowp, lanep = posv >> 4, posv & (L - 1)
        plsc.store_scatter(cfus, [rowp, lanep], idxv - VOCAB, mask=isfus)
        plsc.store_scatter(cpos, [rowp, lanep], base + i * L + lanes,
                           mask=isfus)
        return cnt + plsc.all_reduce_population_count(isfus)

    gathers = [None] * N_CH
    writes = [None] * N_CH

    def fire_gather(c):
        h = pltpu.make_async_copy(
            emb_hbm.at[midx_v.at[pl.ds(c * CH, CH)]],
            rows[c % NBUF], sems[c % NBUF])
        gathers[c] = h
        h.start()

    def clamp_grp(i, carry):
        idxv = idx_v[pl.ds(i * L, L)]
        midx_v[pl.ds(i * L, L)] = jnp.where(idxv >= VOCAB, 0, idxv)
        return carry

    lax.fori_loop(0, GPC, clamp_grp, 0)

    def grp_compact(i, cnt):
        idxv = idx_v[pl.ds(i * L, L)]
        isfus = idxv >= VOCAB
        posv = cnt + plsc.cumsum(jnp.where(isfus, 1, 0)) - 1
        rowp, lanep = posv >> 4, posv & (L - 1)
        plsc.store_scatter(cfus, [rowp, lanep], idxv - VOCAB, mask=isfus)
        plsc.store_scatter(cpos, [rowp, lanep], base + i * L + lanes,
                           mask=isfus)
        return cnt + plsc.all_reduce_population_count(isfus)

    cnt = jnp.zeros((L,), jnp.int32)
    for c in range(1, N_CH):
        cnt = lax.fori_loop(c * GPC, (c + 1) * GPC, grp, cnt)
        if c - 1 < NBUF:
            fire_gather(c - 1)
    cnt = lax.fori_loop(0, GPC, grp_compact, cnt)

    lastj = jnp.maximum(cnt - 1, 0)
    lastpos = plsc.load_gather(cpos, [lastj >> 4, lastj & (L - 1)])
    lastfus = plsc.load_gather(cfus, [lastj >> 4, lastj & (L - 1)])
    padpos = cnt + lanes
    padmask = cnt > 0
    plsc.store_scatter(cpos, [padpos >> 4, padpos & (L - 1)], lastpos,
                       mask=padmask)
    plsc.store_scatter(cfus, [padpos >> 4, padpos & (L - 1)], lastfus,
                       mask=padmask)

    n_fus = jnp.max(cnt)
    n_fchunks = (n_fus + (L - 1)) // L

    for c in range(N_CH):
        gathers[c].wait()
        if c == 0:
            @pl.when(n_fchunks > 0)
            def _():
                pltpu.make_async_copy(
                    fus_hbm.at[cfus.at[0]], frow, sem_f).start()
        writes[c] = pltpu.make_async_copy(
            rows[c % NBUF], out_hbm.at[pl.ds(base + c * CH, CH)],
            sems[c % NBUF])
        writes[c].start()
        if 0 < c and c - 1 + NBUF < N_CH:
            writes[c - 1].wait()
            fire_gather(c - 1 + NBUF)
    for c in range(N_CH - NBUF, N_CH):
        writes[c].wait()

    @pl.when(n_fchunks > 0)
    def _():
        pltpu.make_async_copy(fus_hbm.at[cfus.at[0]], frow, sem_f).wait()
        h = pltpu.make_async_copy(frow, out_hbm.at[cpos.at[0]], sem_f)
        h.start()
        h.wait()

    def fchunk(g, carry):
        h = pltpu.make_async_copy(fus_hbm.at[cfus.at[g]], frow, sem_f)
        h.start()
        h.wait()
        h2 = pltpu.make_async_copy(frow, out_hbm.at[cpos.at[g]], sem_f)
        h2.start()
        h2.wait()
        return carry

    lax.fori_loop(1, n_fchunks, fchunk, 0)


@jax.jit
def _impl(ids, emb, fus):
    mesh = plsc.VectorSubcoreMesh(core_axis_name="c", subcore_axis_name="s",
                                  num_cores=NC, num_subcores=NS)
    return pl.kernel(
        _body,
        out_type=jax.ShapeDtypeStruct((N_TOKENS, D), jnp.float32),
        mesh=mesh,
        compiler_params=pltpu.CompilerParams(needs_layout_passes=False),
        scratch_types=[
            pltpu.VMEM((TPW,), jnp.int32),
            pltpu.VMEM((TPW,), jnp.int32),
            [pltpu.VMEM((CH, D), jnp.float32)] * NBUF,
            pltpu.VMEM((CGROUPS, L), jnp.int32),
            pltpu.VMEM((CGROUPS, L), jnp.int32),
            pltpu.VMEM((L, D), jnp.float32),
            [pltpu.SemaphoreType.DMA] * NBUF,
            pltpu.SemaphoreType.DMA,
        ],
    )(ids, emb, fus)


def kernel(input, embedding_weight, fusion_weight):
    ids = input.reshape(-1)
    out = _impl(ids, embedding_weight, fusion_weight)
    return out.reshape(input.shape + (D,))

# --- scband reference (transcript-rebuilt; emitter-appended) ---
"""Pipeline reference for scband-fusion-embedding-14448269984038 (READ-ONLY COPY).

The authoritative reference and input builder live on the scoring server;
editing this copy changes nothing except your own understanding.
"""

import jax, jax.numpy as jnp
import numpy as np

VOCAB_SIZE = 100000
FUSION_VOCAB_SIZE = 1024
EMBED_DIM = 128
BATCH = 4
SEQ_LEN = 8192

def setup_inputs(seed: int = 0) -> dict:
    key = jax.random.key(seed)
    k1, k2, k3 = jax.random.split(key, 3)
    input_ids = jax.random.randint(k1, (BATCH, SEQ_LEN), 0, VOCAB_SIZE + FUSION_VOCAB_SIZE, dtype=jnp.int32)
    embedding_weight = jax.random.normal(k2, (VOCAB_SIZE, EMBED_DIM), dtype=jnp.float32)
    fusion_weight = jax.random.normal(k3, (FUSION_VOCAB_SIZE, EMBED_DIM), dtype=jnp.float32)
    return {"input": input_ids, "embedding_weight": embedding_weight, "fusion_weight": fusion_weight}

def reference(input, embedding_weight, fusion_weight):
    # Faithful to torch masked_select + masked_scatter routing:
    # out[b, s] = embedding[input[b,s]]            if input[b,s] <  VOCAB_SIZE
    #           = fusion_embedding[input[b,s]-V]   otherwise
    mask = input < VOCAB_SIZE
    main_idx = jnp.where(mask, input, 0)
    fusion_idx = jnp.where(mask, 0, input - VOCAB_SIZE)
    main_embeds = jnp.take(embedding_weight, main_idx, axis=0)
    fusion_embeds = jnp.take(fusion_weight, fusion_idx, axis=0)
    out = jnp.where(mask[..., None], main_embeds, fusion_embeds)
    return out

if __name__ == "__main__":
    import jax
    _d = setup_inputs()
    print(jax.jit(kernel)(*tuple(_d.values())))

</pallas_src>

<mosaic_0001>
#map = affine_map<(d0, d1) -> (0)>
#map1 = affine_map<(d0, d1) -> (0, 0)>
module attributes {stable_mosaic.version = 14 : i64} {
  func.func @_body(%arg0: i32, %arg1: i32, %arg2: memref<32768xi32, #tpu.memory_space<hbm>>, %arg3: memref<100000x128xf32, #tpu.memory_space<hbm>>, %arg4: memref<1024x128xf32, #tpu.memory_space<hbm>>, %arg5: memref<32768x128xf32, #tpu.memory_space<hbm>>, %arg6: memref<1024xi32, #tpu.memory_space<vmem>>, %arg7: memref<1024xi32, #tpu.memory_space<vmem>>, %arg8: memref<256x128xf32, #tpu.memory_space<vmem>>, %arg9: memref<256x128xf32, #tpu.memory_space<vmem>>, %arg10: memref<256x128xf32, #tpu.memory_space<vmem>>, %arg11: memref<65x16xi32, #tpu.memory_space<vmem>>, %arg12: memref<65x16xi32, #tpu.memory_space<vmem>>, %arg13: memref<16x128xf32, #tpu.memory_space<vmem>>, %arg14: memref<!tpu.dma_semaphore, #tpu.memory_space<semaphore_mem>>, %arg15: memref<!tpu.dma_semaphore, #tpu.memory_space<semaphore_mem>>, %arg16: memref<!tpu.dma_semaphore, #tpu.memory_space<semaphore_mem>>, %arg17: memref<!tpu.dma_semaphore, #tpu.memory_space<semaphore_mem>>) attributes {dimension_semantics = [#tpu.dimension_semantics<core_parallel>, #tpu.dimension_semantics<subcore_parallel>], iteration_bounds = array<i64: 2, 16>, scalar_prefetch = 0 : i64, scratch_operands = 12 : i64, tpu.core_type = #tpu.core_type<sc_vector_subcore>, window_params = [{transform_indices = #map}, {transform_indices = #map1}, {transform_indices = #map1}, {transform_indices = #map1}]} {
    %mul3A = arith.constant 2 : i32
    %mul3A_0 = arith.muli %arg1, %mul3A : i32
    %add3A = arith.addi %mul3A_0, %arg0 : i32
    %mul3A_1 = arith.constant 1024 : i32
    %mul3A_2 = arith.muli %add3A, %mul3A_1 : i32
    "tpu.region"() ({
      %run_scoped3A = tpu.sem_alloc : memref<!tpu.dma_semaphore, #tpu.memory_space<semaphore_mem>>
      %dma_start3A_185 = tpu.memref_slice %arg2[%mul3A_2] : memref<32768xi32, #tpu.memory_space<hbm>> -> memref<1024xi32, #tpu.memory_space<hbm>>
      %dma_start3A_186 = tpu.memref_slice %arg2[%mul3A_2] : memref<32768xi32, #tpu.memory_space<hbm>> -> memref<1024xi32, #tpu.memory_space<hbm>>
      tpu.enqueue_dma source(%dma_start3A_186 : memref<1024xi32, #tpu.memory_space<hbm>>) target(%arg6 : memref<1024xi32, #tpu.memory_space<vmem>>) target_semaphore(%run_scoped3A : memref<!tpu.dma_semaphore, #tpu.memory_space<semaphore_mem>>)
      %dma_wait3A_187 = tpu.memref_slice %arg2[%mul3A_2] : memref<32768xi32, #tpu.memory_space<hbm>> -> memref<1024xi32, #tpu.memory_space<hbm>>
      %dma_wait3A_188 = tpu.memref_slice %arg2[%mul3A_2] : memref<32768xi32, #tpu.memory_space<hbm>> -> memref<1024xi32, #tpu.memory_space<hbm>>
      tpu.wait_dma2 semaphore(%run_scoped3A : memref<!tpu.dma_semaphore, #tpu.memory_space<semaphore_mem>>) src(%dma_wait3A_188 : memref<1024xi32, #tpu.memory_space<hbm>>) dst(%arg6 : memref<1024xi32, #tpu.memory_space<vmem>>)
      tpu.yield
    }) : () -> ()
    %iota3A = tpu.iota {dimensions = array<i32: 0>} : vector<16xi32>
    %scan3A = arith.constant 0 : i32
    %scan3A_3 = arith.constant 0 : i32
    %scan3A_4 = arith.constant 16 : i32
    %scan3A_5 = arith.addi %scan3A_3, %scan3A_4 : i32
    %scan3A_6 = arith.constant 1 : i32
    scf.for %scan3A_185 = %scan3A_3 to %scan3A_5 step %scan3A_6  : i32 {
      %mul3A_186 = arith.constant 16 : i32
      %mul3A_187 = arith.muli %scan3A_185, %mul3A_186 : i32
      %get3A = arith.index_cast %mul3A_187 : i32 to index
      %get3A_188 = tpu.vector_load %arg6[%get3A] {strides = array<i32>} : memref<1024xi32, #tpu.memory_space<vmem>>, vector<16xi32>,
      %ge3A = arith.constant 100000 : i32
      %ge3A_189 = vector.broadcast %ge3A : i32 to vector<16xi32>
      %ge3A_190 = arith.cmpi sge, %get3A_188, %ge3A_189 : vector<16xi32>
      %jit3A_191 = arith.constant 0 : i32
      %broadcast_in_dim3A_192 = vector.broadcast %jit3A_191 : i32 to vector<16xi32>
      %select_n3A_193 = arith.select %ge3A_190, %broadcast_in_dim3A_192, %get3A_188 : vector<16xi1>, vector<16xi32>
      %mul3A_194 = arith.constant 16 : i32
      %mul3A_195 = arith.muli %scan3A_185, %mul3A_194 : i32
      %swap3A = arith.index_cast %mul3A_195 : i32 to index
      %swap3A_196 = tpu.vector_load %arg7[%swap3A] {strides = array<i32>} : memref<1024xi32, #tpu.memory_space<vmem>>, vector<16xi32>,
      tpu.vector_store %arg7[%swap3A], %select_n3A_193 {strides = array<i32>} : memref<1024xi32, #tpu.memory_space<vmem>>, vector<16xi32>,
    }
    %scan3A_7 = arith.constant 16 : i32
    %broadcast_in_dim3A = arith.constant 0 : i32
    %broadcast_in_dim3A_8 = vector.broadcast %broadcast_in_dim3A : i32 to vector<16xi32>
    %scan3A_9 = arith.constant 16 : i32
    %scan3A_10 = arith.constant 16 : i32
    %scan3A_11 = arith.addi %scan3A_9, %scan3A_10 : i32
    %scan3A_12 = arith.constant 1 : i32
    %scan3A_13 = scf.for %scan3A_185 = %scan3A_9 to %scan3A_11 step %scan3A_12 iter_args(%scan3A_186 = %broadcast_in_dim3A_8) -> (vector<16xi32>)  : i32 {
      %mul3A_187 = arith.constant 16 : i32
      %mul3A_188 = arith.muli %scan3A_185, %mul3A_187 : i32
      %get3A = arith.index_cast %mul3A_188 : i32 to index
      %get3A_189 = tpu.vector_load %arg6[%get3A] {strides = array<i32>} : memref<1024xi32, #tpu.memory_space<vmem>>, vector<16xi32>,
      %ge3A = arith.constant 100000 : i32
      %ge3A_190 = vector.broadcast %ge3A : i32 to vector<16xi32>
      %ge3A_191 = arith.cmpi sge, %get3A_189, %ge3A_190 : vector<16xi32>
      %jit3A_192 = arith.constant 0 : i32
      %broadcast_in_dim3A_193 = vector.broadcast %jit3A_192 : i32 to vector<16xi32>
      %select_n3A_194 = arith.select %ge3A_191, %broadcast_in_dim3A_193, %get3A_189 : vector<16xi1>, vector<16xi32>
      %mul3A_195 = arith.constant 16 : i32
      %mul3A_196 = arith.muli %scan3A_185, %mul3A_195 : i32
      %swap3A = arith.index_cast %mul3A_196 : i32 to index
      %swap3A_197 = tpu.vector_load %arg7[%swap3A] {strides = array<i32>} : memref<1024xi32, #tpu.memory_space<vmem>>, vector<16xi32>,
      tpu.vector_store %arg7[%swap3A], %select_n3A_194 {strides = array<i32>} : memref<1024xi32, #tpu.memory_space<vmem>>, vector<16xi32>,
      %jit3A_198 = arith.constant 1 : i32
      %jit3A_199 = arith.constant 0 : i32
      %broadcast_in_dim3A_200 = vector.broadcast %jit3A_198 : i32 to vector<16xi32>
      %broadcast_in_dim3A_201 = vector.broadcast %jit3A_199 : i32 to vector<16xi32>
      %select_n3A_202 = arith.select %ge3A_191, %broadcast_in_dim3A_200, %broadcast_in_dim3A_201 : vector<16xi1>, vector<16xi32>
      %broadcast_in_dim3A_203 = arith.constant true
      %broadcast_in_dim3A_204 = vector.broadcast %broadcast_in_dim3A_203 : i1 to vector<16xi1>
      %masked_cumsum3A = tpu.scan <sum>, %select_n3A_202 masked %broadcast_in_dim3A_204 : vector<16xi32>, vector<16xi1> -> vector<16xi32>
      %add3A_205 = arith.addi %scan3A_186, %masked_cumsum3A : vector<16xi32>
      %sub3A_206 = arith.constant 1 : i32
      %sub3A_207 = vector.broadcast %sub3A_206 : i32 to vector<16xi32>
      %sub3A_208 = arith.subi %add3A_205, %sub3A_207 : vector<16xi32>
      %shift_right_arithmetic3A_209 = arith.constant 4 : i32
      %shift_right_arithmetic3A_210 = vector.broadcast %shift_right_arithmetic3A_209 : i32 to vector<16xi32>
      %shift_right_arithmetic3A_211 = arith.shrsi %sub3A_208, %shift_right_arithmetic3A_210 : vector<16xi32>
      %and3A_212 = arith.constant 15 : i32
      %and3A_213 = vector.broadcast %and3A_212 : i32 to vector<16xi32>
      %and3A_214 = arith.andi %sub3A_208, %and3A_213 : vector<16xi32>
      %sub3A_215 = arith.constant 100000 : i32
      %sub3A_216 = vector.broadcast %sub3A_215 : i32 to vector<16xi32>
      %sub3A_217 = arith.subi %get3A_189, %sub3A_216 : vector<16xi32>
      tpu.vector_store_idx %arg12[%shift_right_arithmetic3A_211, %and3A_214], %sub3A_217 masked %ge3A_191 : memref<65x16xi32, #tpu.memory_space<vmem>>[vector<16xi32>, vector<16xi32>], vector<16xi32>, vector<16xi1>
      %mul3A_218 = arith.constant 16 : i32
      %mul3A_219 = arith.muli %scan3A_185, %mul3A_218 : i32
      %add3A_220 = arith.addi %mul3A_2, %mul3A_219 : i32
      %add3A_221 = vector.broadcast %add3A_220 : i32 to vector<16xi32>
      %add3A_222 = arith.addi %add3A_221, %iota3A : vector<16xi32>
      tpu.vector_store_idx %arg11[%shift_right_arithmetic3A_211, %and3A_214], %add3A_222 masked %ge3A_191 : memref<65x16xi32, #tpu.memory_space<vmem>>[vector<16xi32>, vector<16xi32>], vector<16xi32>, vector<16xi1>
      %all_reduce_population_count3A = tpu.all_reduce %ge3A_191 {dim = 0 : i64, kind = #tpu.reduction_kind<sum>} : vector<16xi1> -> vector<16xi32>
      %add3A_223 = arith.addi %scan3A_186, %all_reduce_population_count3A : vector<16xi32>
      scf.yield %add3A_223 : vector<16xi32>
    }
    %scan3A_14 = arith.constant 16 : i32
    %dma_start3A = arith.constant 0 : i32
    %dma_start3A_15 = tpu.memref_slice %arg7[%dma_start3A] : memref<1024xi32, #tpu.memory_space<vmem>> -> memref<256xi32, #tpu.memory_space<vmem>>
    %dma_start3A_16 = arith.constant 0 : i32
    %dma_start3A_17 = arith.constant 0 : i32
    %dma_start3A_18 = tpu.memref_slice %arg3[%dma_start3A_16, %dma_start3A_17] : memref<100000x128xf32, #tpu.memory_space<hbm>> -> memref<100000x128xf32, #tpu.memory_space<hbm>>
    tpu.enqueue_indirect_dma source(%dma_start3A_18 : memref<100000x128xf32, #tpu.memory_space<hbm>>) target(%arg8 : memref<256x128xf32, #tpu.memory_space<vmem>>) offsets(%dma_start3A_15 : memref<256xi32, #tpu.memory_space<vmem>>) semaphore(%arg14 : memref<!tpu.dma_semaphore, #tpu.memory_space<semaphore_mem>>)
    %scan3A_19 = arith.constant 32 : i32
    %scan3A_20 = arith.constant 16 : i32
    %scan3A_21 = arith.addi %scan3A_19, %scan3A_20 : i32
    %scan3A_22 = arith.constant 1 : i32
    %scan3A_23 = scf.for %scan3A_185 = %scan3A_19 to %scan3A_21 step %scan3A_22 iter_args(%scan3A_186 = %scan3A_13) -> (vector<16xi32>)  : i32 {
      %mul3A_187 = arith.constant 16 : i32
      %mul3A_188 = arith.muli %scan3A_185, %mul3A_187 : i32
      %get3A = arith.index_cast %mul3A_188 : i32 to index
      %get3A_189 = tpu.vector_load %arg6[%get3A] {strides = array<i32>} : memref<1024xi32, #tpu.memory_space<vmem>>, vector<16xi32>,
      %ge3A = arith.constant 100000 : i32
      %ge3A_190 = vector.broadcast %ge3A : i32 to vector<16xi32>
      %ge3A_191 = arith.cmpi sge, %get3A_189, %ge3A_190 : vector<16xi32>
      %jit3A_192 = arith.constant 0 : i32
      %broadcast_in_dim3A_193 = vector.broadcast %jit3A_192 : i32 to vector<16xi32>
      %select_n3A_194 = arith.select %ge3A_191, %broadcast_in_dim3A_193, %get3A_189 : vector<16xi1>, vector<16xi32>
      %mul3A_195 = arith.constant 16 : i32
      %mul3A_196 = arith.muli %scan3A_185, %mul3A_195 : i32
      %swap3A = arith.index_cast %mul3A_196 : i32 to index
      %swap3A_197 = tpu.vector_load %arg7[%swap3A] {strides = array<i32>} : memref<1024xi32, #tpu.memory_space<vmem>>, vector<16xi32>,
      tpu.vector_store %arg7[%swap3A], %select_n3A_194 {strides = array<i32>} : memref<1024xi32, #tpu.memory_space<vmem>>, vector<16xi32>,
      %jit3A_198 = arith.constant 1 : i32
      %jit3A_199 = arith.constant 0 : i32
      %broadcast_in_dim3A_200 = vector.broadcast %jit3A_198 : i32 to vector<16xi32>
      %broadcast_in_dim3A_201 = vector.broadcast %jit3A_199 : i32 to vector<16xi32>
      %select_n3A_202 = arith.select %ge3A_191, %broadcast_in_dim3A_200, %broadcast_in_dim3A_201 : vector<16xi1>, vector<16xi32>
      %broadcast_in_dim3A_203 = arith.constant true
      %broadcast_in_dim3A_204 = vector.broadcast %broadcast_in_dim3A_203 : i1 to vector<16xi1>
      %masked_cumsum3A = tpu.scan <sum>, %select_n3A_202 masked %broadcast_in_dim3A_204 : vector<16xi32>, vector<16xi1> -> vector<16xi32>
      %add3A_205 = arith.addi %scan3A_186, %masked_cumsum3A : vector<16xi32>
      %sub3A_206 = arith.constant 1 : i32
      %sub3A_207 = vector.broadcast %sub3A_206 : i32 to vector<16xi32>
      %sub3A_208 = arith.subi %add3A_205, %sub3A_207 : vector<16xi32>
      %shift_right_arithmetic3A_209 = arith.constant 4 : i32
      %shift_right_arithmetic3A_210 = vector.broadcast %shift_right_arithmetic3A_209 : i32 to vector<16xi32>
      %shift_right_arithmetic3A_211 = arith.shrsi %sub3A_208, %shift_right_arithmetic3A_210 : vector<16xi32>
      %and3A_212 = arith.constant 15 : i32
      %and3A_213 = vector.broadcast %and3A_212 : i32 to vector<16xi32>
      %and3A_214 = arith.andi %sub3A_208, %and3A_213 : vector<16xi32>
      %sub3A_215 = arith.constant 100000 : i32
      %sub3A_216 = vector.broadcast %sub3A_215 : i32 to vector<16xi32>
      %sub3A_217 = arith.subi %get3A_189, %sub3A_216 : vector<16xi32>
      tpu.vector_store_idx %arg12[%shift_right_arithmetic3A_211, %and3A_214], %sub3A_217 masked %ge3A_191 : memref<65x16xi32, #tpu.memory_space<vmem>>[vector<16xi32>, vector<16xi32>], vector<16xi32>, vector<16xi1>
      %mul3A_218 = arith.constant 16 : i32
      %mul3A_219 = arith.muli %scan3A_185, %mul3A_218 : i32
      %add3A_220 = arith.addi %mul3A_2, %mul3A_219 : i32
      %add3A_221 = vector.broadcast %add3A_220 : i32 to vector<16xi32>
      %add3A_222 = arith.addi %add3A_221, %iota3A : vector<16xi32>
      tpu.vector_store_idx %arg11[%shift_right_arithmetic3A_211, %and3A_214], %add3A_222 masked %ge3A_191 : memref<65x16xi32, #tpu.memory_space<vmem>>[vector<16xi32>, vector<16xi32>], vector<16xi32>, vector<16xi1>
      %all_reduce_population_count3A = tpu.all_reduce %ge3A_191 {dim = 0 : i64, kind = #tpu.reduction_kind<sum>} : vector<16xi1> -> vector<16xi32>
      %add3A_223 = arith.addi %scan3A_186, %all_reduce_population_count3A : vector<16xi32>
      scf.yield %add3A_223 : vector<16xi32>
    }
    %scan3A_24 = arith.constant 16 : i32
    %dma_start3A_25 = arith.constant 256 : i32
    %dma_start3A_26 = tpu.memref_slice %arg7[%dma_start3A_25] : memref<1024xi32, #tpu.memory_space<vmem>> -> memref<256xi32, #tpu.memory_space<vmem>>
    %dma_start3A_27 = arith.constant 0 : i32
    %dma_start3A_28 = arith.constant 0 : i32
    %dma_start3A_29 = tpu.memref_slice %arg3[%dma_start3A_27, %dma_start3A_28] : memref<100000x128xf32, #tpu.memory_space<hbm>> -> memref<100000x128xf32, #tpu.memory_space<hbm>>
    tpu.enqueue_indirect_dma source(%dma_start3A_29 : memref<100000x128xf32, #tpu.memory_space<hbm>>) target(%arg9 : memref<256x128xf32, #tpu.memory_space<vmem>>) offsets(%dma_start3A_26 : memref<256xi32, #tpu.memory_space<vmem>>) semaphore(%arg15 : memref<!tpu.dma_semaphore, #tpu.memory_space<semaphore_mem>>)
    %scan3A_30 = arith.constant 48 : i32
    %scan3A_31 = arith.constant 16 : i32
    %scan3A_32 = arith.addi %scan3A_30, %scan3A_31 : i32
    %scan3A_33 = arith.constant 1 : i32
    %scan3A_34 = scf.for %scan3A_185 = %scan3A_30 to %scan3A_32 step %scan3A_33 iter_args(%scan3A_186 = %scan3A_23) -> (vector<16xi32>)  : i32 {
      %mul3A_187 = arith.constant 16 : i32
      %mul3A_188 = arith.muli %scan3A_185, %mul3A_187 : i32
      %get3A = arith.index_cast %mul3A_188 : i32 to index
      %get3A_189 = tpu.vector_load %arg6[%get3A] {strides = array<i32>} : memref<1024xi32, #tpu.memory_space<vmem>>, vector<16xi32>,
      %ge3A = arith.constant 100000 : i32
      %ge3A_190 = vector.broadcast %ge3A : i32 to vector<16xi32>
      %ge3A_191 = arith.cmpi sge, %get3A_189, %ge3A_190 : vector<16xi32>
      %jit3A_192 = arith.constant 0 : i32
      %broadcast_in_dim3A_193 = vector.broadcast %jit3A_192 : i32 to vector<16xi32>
      %select_n3A_194 = arith.select %ge3A_191, %broadcast_in_dim3A_193, %get3A_189 : vector<16xi1>, vector<16xi32>
      %mul3A_195 = arith.constant 16 : i32
      %mul3A_196 = arith.muli %scan3A_185, %mul3A_195 : i32
      %swap3A = arith.index_cast %mul3A_196 : i32 to index
      %swap3A_197 = tpu.vector_load %arg7[%swap3A] {strides = array<i32>} : memref<1024xi32, #tpu.memory_space<vmem>>, vector<16xi32>,
      tpu.vector_store %arg7[%swap3A], %select_n3A_194 {strides = array<i32>} : memref<1024xi32, #tpu.memory_space<vmem>>, vector<16xi32>,
      %jit3A_198 = arith.constant 1 : i32
      %jit3A_199 = arith.constant 0 : i32
      %broadcast_in_dim3A_200 = vector.broadcast %jit3A_198 : i32 to vector<16xi32>
      %broadcast_in_dim3A_201 = vector.broadcast %jit3A_199 : i32 to vector<16xi32>
      %select_n3A_202 = arith.select %ge3A_191, %broadcast_in_dim3A_200, %broadcast_in_dim3A_201 : vector<16xi1>, vector<16xi32>
      %broadcast_in_dim3A_203 = arith.constant true
      %broadcast_in_dim3A_204 = vector.broadcast %broadcast_in_dim3A_203 : i1 to vector<16xi1>
      %masked_cumsum3A = tpu.scan <sum>, %select_n3A_202 masked %broadcast_in_dim3A_204 : vector<16xi32>, vector<16xi1> -> vector<16xi32>
      %add3A_205 = arith.addi %scan3A_186, %masked_cumsum3A : vector<16xi32>
      %sub3A_206 = arith.constant 1 : i32
      %sub3A_207 = vector.broadcast %sub3A_206 : i32 to vector<16xi32>
      %sub3A_208 = arith.subi %add3A_205, %sub3A_207 : vector<16xi32>
      %shift_right_arithmetic3A_209 = arith.constant 4 : i32
      %shift_right_arithmetic3A_210 = vector.broadcast %shift_right_arithmetic3A_209 : i32 to vector<16xi32>
      %shift_right_arithmetic3A_211 = arith.shrsi %sub3A_208, %shift_right_arithmetic3A_210 : vector<16xi32>
      %and3A_212 = arith.constant 15 : i32
      %and3A_213 = vector.broadcast %and3A_212 : i32 to vector<16xi32>
      %and3A_214 = arith.andi %sub3A_208, %and3A_213 : vector<16xi32>
      %sub3A_215 = arith.constant 100000 : i32
      %sub3A_216 = vector.broadcast %sub3A_215 : i32 to vector<16xi32>
      %sub3A_217 = arith.subi %get3A_189, %sub3A_216 : vector<16xi32>
      tpu.vector_store_idx %arg12[%shift_right_arithmetic3A_211, %and3A_214], %sub3A_217 masked %ge3A_191 : memref<65x16xi32, #tpu.memory_space<vmem>>[vector<16xi32>, vector<16xi32>], vector<16xi32>, vector<16xi1>
      %mul3A_218 = arith.constant 16 : i32
      %mul3A_219 = arith.muli %scan3A_185, %mul3A_218 : i32
      %add3A_220 = arith.addi %mul3A_2, %mul3A_219 : i32
      %add3A_221 = vector.broadcast %add3A_220 : i32 to vector<16xi32>
      %add3A_222 = arith.addi %add3A_221, %iota3A : vector<16xi32>
      tpu.vector_store_idx %arg11[%shift_right_arithmetic3A_211, %and3A_214], %add3A_222 masked %ge3A_191 : memref<65x16xi32, #tpu.memory_space<vmem>>[vector<16xi32>, vector<16xi32>], vector<16xi32>, vector<16xi1>
      %all_reduce_population_count3A = tpu.all_reduce %ge3A_191 {dim = 0 : i64, kind = #tpu.reduction_kind<sum>} : vector<16xi1> -> vector<16xi32>
      %add3A_223 = arith.addi %scan3A_186, %all_reduce_population_count3A : vector<16xi32>
      scf.yield %add3A_223 : vector<16xi32>
    }
    %scan3A_35 = arith.constant 16 : i32
    %dma_start3A_36 = arith.constant 512 : i32
    %dma_start3A_37 = tpu.memref_slice %arg7[%dma_start3A_36] : memref<1024xi32, #tpu.memory_space<vmem>> -> memref<256xi32, #tpu.memory_space<vmem>>
    %dma_start3A_38 = arith.constant 0 : i32
    %dma_start3A_39 = arith.constant 0 : i32
    %dma_start3A_40 = tpu.memref_slice %arg3[%dma_start3A_38, %dma_start3A_39] : memref<100000x128xf32, #tpu.memory_space<hbm>> -> memref<100000x128xf32, #tpu.memory_space<hbm>>
    tpu.enqueue_indirect_dma source(%dma_start3A_40 : memref<100000x128xf32, #tpu.memory_space<hbm>>) target(%arg10 : memref<256x128xf32, #tpu.memory_space<vmem>>) offsets(%dma_start3A_37 : memref<256xi32, #tpu.memory_space<vmem>>) semaphore(%arg16 : memref<!tpu.dma_semaphore, #tpu.memory_space<semaphore_mem>>)
    %scan3A_41 = arith.constant 0 : i32
    %scan3A_42 = arith.constant 16 : i32
    %scan3A_43 = arith.addi %scan3A_41, %scan3A_42 : i32
    %scan3A_44 = arith.constant 1 : i32
    %scan3A_45 = scf.for %scan3A_185 = %scan3A_41 to %scan3A_43 step %scan3A_44 iter_args(%scan3A_186 = %scan3A_34) -> (vector<16xi32>)  : i32 {
      %mul3A_187 = arith.constant 16 : i32
      %mul3A_188 = arith.muli %scan3A_185, %mul3A_187 : i32
      %get3A = arith.index_cast %mul3A_188 : i32 to index
      %get3A_189 = tpu.vector_load %arg6[%get3A] {strides = array<i32>} : memref<1024xi32, #tpu.memory_space<vmem>>, vector<16xi32>,
      %ge3A = arith.constant 100000 : i32
      %ge3A_190 = vector.broadcast %ge3A : i32 to vector<16xi32>
      %ge3A_191 = arith.cmpi sge, %get3A_189, %ge3A_190 : vector<16xi32>
      %jit3A_192 = arith.constant 1 : i32
      %jit3A_193 = arith.constant 0 : i32
      %broadcast_in_dim3A_194 = vector.broadcast %jit3A_192 : i32 to vector<16xi32>
      %broadcast_in_dim3A_195 = vector.broadcast %jit3A_193 : i32 to vector<16xi32>
      %select_n3A_196 = arith.select %ge3A_191, %broadcast_in_dim3A_194, %broadcast_in_dim3A_195 : vector<16xi1>, vector<16xi32>
      %broadcast_in_dim3A_197 = arith.constant true
      %broadcast_in_dim3A_198 = vector.broadcast %broadcast_in_dim3A_197 : i1 to vector<16xi1>
      %masked_cumsum3A = tpu.scan <sum>, %select_n3A_196 masked %broadcast_in_dim3A_198 : vector<16xi32>, vector<16xi1> -> vector<16xi32>
      %add3A_199 = arith.addi %scan3A_186, %masked_cumsum3A : vector<16xi32>
      %sub3A_200 = arith.constant 1 : i32
      %sub3A_201 = vector.broadcast %sub3A_200 : i32 to vector<16xi32>
      %sub3A_202 = arith.subi %add3A_199, %sub3A_201 : vector<16xi32>
      %shift_right_arithmetic3A_203 = arith.constant 4 : i32
      %shift_right_arithmetic3A_204 = vector.broadcast %shift_right_arithmetic3A_203 : i32 to vector<16xi32>
      %shift_right_arithmetic3A_205 = arith.shrsi %sub3A_202, %shift_right_arithmetic3A_204 : vector<16xi32>
      %and3A_206 = arith.constant 15 : i32
      %and3A_207 = vector.broadcast %and3A_206 : i32 to vector<16xi32>
      %and3A_208 = arith.andi %sub3A_202, %and3A_207 : vector<16xi32>
      %sub3A_209 = arith.constant 100000 : i32
      %sub3A_210 = vector.broadcast %sub3A_209 : i32 to vector<16xi32>
      %sub3A_211 = arith.subi %get3A_189, %sub3A_210 : vector<16xi32>
      tpu.vector_store_idx %arg12[%shift_right_arithmetic3A_205, %and3A_208], %sub3A_211 masked %ge3A_191 : memref<65x16xi32, #tpu.memory_space<vmem>>[vector<16xi32>, vector<16xi32>], vector<16xi32>, vector<16xi1>
      %mul3A_212 = arith.constant 16 : i32
      %mul3A_213 = arith.muli %scan3A_185, %mul3A_212 : i32
      %add3A_214 = arith.addi %mul3A_2, %mul3A_213 : i32
      %add3A_215 = vector.broadcast %add3A_214 : i32 to vector<16xi32>
      %add3A_216 = arith.addi %add3A_215, %iota3A : vector<16xi32>
      tpu.vector_store_idx %arg11[%shift_right_arithmetic3A_205, %and3A_208], %add3A_216 masked %ge3A_191 : memref<65x16xi32, #tpu.memory_space<vmem>>[vector<16xi32>, vector<16xi32>], vector<16xi32>, vector<16xi1>
      %all_reduce_population_count3A = tpu.all_reduce %ge3A_191 {dim = 0 : i64, kind = #tpu.reduction_kind<sum>} : vector<16xi1> -> vector<16xi32>
      %add3A_217 = arith.addi %scan3A_186, %all_reduce_population_count3A : vector<16xi32>
      scf.yield %add3A_217 : vector<16xi32>
    }
    %scan3A_46 = arith.constant 16 : i32
    %sub3A = arith.constant 1 : i32
    %sub3A_47 = vector.broadcast %sub3A : i32 to vector<16xi32>
    %sub3A_48 = arith.subi %scan3A_45, %sub3A_47 : vector<16xi32>
    %max3A = arith.constant 0 : i32
    %max3A_49 = vector.broadcast %max3A : i32 to vector<16xi32>
    %max3A_50 = arith.maxsi %sub3A_48, %max3A_49 : vector<16xi32>
    %shift_right_arithmetic3A = arith.constant 4 : i32
    %shift_right_arithmetic3A_51 = vector.broadcast %shift_right_arithmetic3A : i32 to vector<16xi32>
    %shift_right_arithmetic3A_52 = arith.shrsi %max3A_50, %shift_right_arithmetic3A_51 : vector<16xi32>
    %and3A = arith.constant 15 : i32
    %and3A_53 = vector.broadcast %and3A : i32 to vector<16xi32>
    %and3A_54 = arith.andi %max3A_50, %and3A_53 : vector<16xi32>
    %gather3A = tpu.vector_load_idx %arg11[%shift_right_arithmetic3A_52, %and3A_54] : memref<65x16xi32, #tpu.memory_space<vmem>>[vector<16xi32>, vector<16xi32>], vector<16xi32>,
    %shift_right_arithmetic3A_55 = arith.constant 4 : i32
    %shift_right_arithmetic3A_56 = vector.broadcast %shift_right_arithmetic3A_55 : i32 to vector<16xi32>
    %shift_right_arithmetic3A_57 = arith.shrsi %max3A_50, %shift_right_arithmetic3A_56 : vector<16xi32>
    %and3A_58 = arith.constant 15 : i32
    %and3A_59 = vector.broadcast %and3A_58 : i32 to vector<16xi32>
    %and3A_60 = arith.andi %max3A_50, %and3A_59 : vector<16xi32>
    %gather3A_61 = tpu.vector_load_idx %arg12[%shift_right_arithmetic3A_57, %and3A_60] : memref<65x16xi32, #tpu.memory_space<vmem>>[vector<16xi32>, vector<16xi32>], vector<16xi32>,
    %add3A_62 = arith.addi %scan3A_45, %iota3A : vector<16xi32>
    %gt3A = arith.constant 0 : i32
    %gt3A_63 = vector.broadcast %gt3A : i32 to vector<16xi32>
    %gt3A_64 = arith.cmpi sgt, %scan3A_45, %gt3A_63 : vector<16xi32>
    %shift_right_arithmetic3A_65 = arith.constant 4 : i32
    %shift_right_arithmetic3A_66 = vector.broadcast %shift_right_arithmetic3A_65 : i32 to vector<16xi32>
    %shift_right_arithmetic3A_67 = arith.shrsi %add3A_62, %shift_right_arithmetic3A_66 : vector<16xi32>
    %and3A_68 = arith.constant 15 : i32
    %and3A_69 = vector.broadcast %and3A_68 : i32 to vector<16xi32>
    %and3A_70 = arith.andi %add3A_62, %and3A_69 : vector<16xi32>
    tpu.vector_store_idx %arg11[%shift_right_arithmetic3A_67, %and3A_70], %gather3A masked %gt3A_64 : memref<65x16xi32, #tpu.memory_space<vmem>>[vector<16xi32>, vector<16xi32>], vector<16xi32>, vector<16xi1>
    %shift_right_arithmetic3A_71 = arith.constant 4 : i32
    %shift_right_arithmetic3A_72 = vector.broadcast %shift_right_arithmetic3A_71 : i32 to vector<16xi32>
    %shift_right_arithmetic3A_73 = arith.shrsi %add3A_62, %shift_right_arithmetic3A_72 : vector<16xi32>
    %and3A_74 = arith.constant 15 : i32
    %and3A_75 = vector.broadcast %and3A_74 : i32 to vector<16xi32>
    %and3A_76 = arith.andi %add3A_62, %and3A_75 : vector<16xi32>
    tpu.vector_store_idx %arg12[%shift_right_arithmetic3A_73, %and3A_76], %gather3A_61 masked %gt3A_64 : memref<65x16xi32, #tpu.memory_space<vmem>>[vector<16xi32>, vector<16xi32>], vector<16xi32>, vector<16xi1>
    %reduce_max3A = arith.constant true
    %reduce_max3A_77 = vector.broadcast %reduce_max3A : i1 to vector<16xi1>
    %reduce_max3A_78 = arith.constant -2147483648 : i32
    %reduce_max3A_79 = vector.broadcast %reduce_max3A_78 : i32 to vector<16xi32>
    %reduce_max3A_80 = arith.xori %scan3A_45, %reduce_max3A_79 : vector<16xi32>
    %reduce_max3A_81 = tpu.scan <max>, %reduce_max3A_80 masked %reduce_max3A_77 : vector<16xi32>, vector<16xi1> -> vector<16xi32>
    %reduce_max3A_82 = arith.xori %reduce_max3A_81, %reduce_max3A_79 : vector<16xi32>
    %reduce_max3A_83 = vector.extract %reduce_max3A_82[15] : i32 from vector<16xi32>
    %add3A_84 = arith.constant 15 : i32
    %add3A_85 = arith.addi %reduce_max3A_83, %add3A_84 : i32
    %jit3A = arith.constant 16 : i32
    %div3A = arith.divsi %add3A_85, %jit3A : i32
    %sign3A = arith.constant 0 : i32
    %sign3A_86 = arith.cmpi sgt, %add3A_85, %sign3A : i32
    %sign3A_87 = arith.extui %sign3A_86 : i1 to i32
    %sign3A_88 = arith.constant 0 : i32
    %sign3A_89 = arith.cmpi slt, %add3A_85, %sign3A_88 : i32
    %sign3A_90 = arith.extui %sign3A_89 : i1 to i32
    %sign3A_91 = arith.subi %sign3A_87, %sign3A_90 : i32
    %sign3A_92 = arith.constant 0 : i32
    %sign3A_93 = arith.cmpi sgt, %jit3A, %sign3A_92 : i32
    %sign3A_94 = arith.extui %sign3A_93 : i1 to i32
    %sign3A_95 = arith.constant 0 : i32
    %sign3A_96 = arith.cmpi slt, %jit3A, %sign3A_95 : i32
    %sign3A_97 = arith.extui %sign3A_96 : i1 to i32
    %sign3A_98 = arith.subi %sign3A_94, %sign3A_97 : i32
    %ne3A = arith.cmpi ne, %sign3A_91, %sign3A_98 : i32
    %rem3A = arith.remsi %add3A_85, %jit3A : i32
    %ne3A_99 = arith.constant 0 : i32
    %ne3A_100 = arith.cmpi ne, %rem3A, %ne3A_99 : i32
    %and3A_101 = arith.andi %ne3A, %ne3A_100 : i1
    %sub3A_102 = arith.constant 1 : i32
    %sub3A_103 = arith.subi %div3A, %sub3A_102 : i32
    %select_n3A = arith.select %and3A_101, %sub3A_103, %div3A : i32
    %dma_wait3A = arith.constant 0 : i32
    %dma_wait3A_104 = tpu.memref_slice %arg7[%dma_wait3A] : memref<1024xi32, #tpu.memory_space<vmem>> -> memref<256xi32, #tpu.memory_space<vmem>>
    %dma_wait3A_105 = arith.constant 0 : i32
    %dma_wait3A_106 = arith.constant 0 : i32
    %dma_wait3A_107 = tpu.memref_slice %arg3[%dma_wait3A_105, %dma_wait3A_106] : memref<100000x128xf32, #tpu.memory_space<hbm>> -> memref<100000x128xf32, #tpu.memory_space<hbm>>
    tpu.wait_indirect_dma semaphore(%arg14 : memref<!tpu.dma_semaphore, #tpu.memory_space<semaphore_mem>>) src(%dma_wait3A_107 : memref<100000x128xf32, #tpu.memory_space<hbm>>) dst(%arg8 : memref<256x128xf32, #tpu.memory_space<vmem>>)
    %gt3A_108 = arith.constant 0 : i32
    %gt3A_109 = arith.cmpi sgt, %select_n3A, %gt3A_108 : i32
    %convert_element_type3A = arith.extui %gt3A_109 : i1 to i32
    %cond3A = arith.constant 0 : i32
    %cond3A_110 = arith.cmpi ne, %convert_element_type3A, %cond3A : i32
    scf.if %cond3A_110 {
      %dma_start3A_185 = arith.constant 0 : i32
      %dma_start3A_186 = arith.constant 0 : i32
      %dma_start3A_187 = tpu.memref_slice %arg12[%dma_start3A_185, %dma_start3A_186] : memref<65x16xi32, #tpu.memory_space<vmem>> -> memref<1x16xi32, #tpu.memory_space<vmem>>
      %dma_start3A_188 = tpu.memref_squeeze %dma_start3A_187 : memref<1x16xi32, #tpu.memory_space<vmem>> -> memref<16xi32, #tpu.memory_space<vmem>>
      %dma_start3A_189 = arith.constant 0 : i32
      %dma_start3A_190 = arith.constant 0 : i32
      %dma_start3A_191 = tpu.memref_slice %arg4[%dma_start3A_189, %dma_start3A_190] : memref<1024x128xf32, #tpu.memory_space<hbm>> -> memref<1024x128xf32, #tpu.memory_space<hbm>>
      tpu.enqueue_indirect_dma source(%dma_start3A_191 : memref<1024x128xf32, #tpu.memory_space<hbm>>) target(%arg13 : memref<16x128xf32, #tpu.memory_space<vmem>>) offsets(%dma_start3A_188 : memref<16xi32, #tpu.memory_space<vmem>>) semaphore(%arg17 : memref<!tpu.dma_semaphore, #tpu.memory_space<semaphore_mem>>)
    } else {
    }
    %add3A_111 = arith.constant 0 : i32
    %add3A_112 = arith.addi %mul3A_2, %add3A_111 : i32
    %dma_start3A_113 = arith.constant 0 : i32
    %dma_start3A_114 = tpu.memref_slice %arg5[%add3A_112, %dma_start3A_113] : memref<32768x128xf32, #tpu.memory_space<hbm>> -> memref<256x128xf32, #tpu.memory_space<hbm>>
    %dma_start3A_115 = arith.constant 0 : i32
    %dma_start3A_116 = tpu.memref_slice %arg5[%add3A_112, %dma_start3A_115] : memref<32768x128xf32, #tpu.memory_space<hbm>> -> memref<256x128xf32, #tpu.memory_space<hbm>>
    tpu.enqueue_dma source(%arg8 : memref<256x128xf32, #tpu.memory_space<vmem>>) target(%dma_start3A_116 : memref<256x128xf32, #tpu.memory_space<hbm>>) target_semaphore(%arg14 : memref<!tpu.dma_semaphore, #tpu.memory_space<semaphore_mem>>)
    %dma_wait3A_117 = arith.constant 256 : i32
    %dma_wait3A_118 = tpu.memref_slice %arg7[%dma_wait3A_117] : memref<1024xi32, #tpu.memory_space<vmem>> -> memref<256xi32, #tpu.memory_space<vmem>>
    %dma_wait3A_119 = arith.constant 0 : i32
    %dma_wait3A_120 = arith.constant 0 : i32
    %dma_wait3A_121 = tpu.memref_slice %arg3[%dma_wait3A_119, %dma_wait3A_120] : memref<100000x128xf32, #tpu.memory_space<hbm>> -> memref<100000x128xf32, #tpu.memory_space<hbm>>
    tpu.wait_indirect_dma semaphore(%arg15 : memref<!tpu.dma_semaphore, #tpu.memory_space<semaphore_mem>>) src(%dma_wait3A_121 : memref<100000x128xf32, #tpu.memory_space<hbm>>) dst(%arg9 : memref<256x128xf32, #tpu.memory_space<vmem>>)
    %add3A_122 = arith.constant 256 : i32
    %add3A_123 = arith.addi %mul3A_2, %add3A_122 : i32
    %dma_start3A_124 = arith.constant 0 : i32
    %dma_start3A_125 = tpu.memref_slice %arg5[%add3A_123, %dma_start3A_124] : memref<32768x128xf32, #tpu.memory_space<hbm>> -> memref<256x128xf32, #tpu.memory_space<hbm>>
    %dma_start3A_126 = arith.constant 0 : i32
    %dma_start3A_127 = tpu.memref_slice %arg5[%add3A_123, %dma_start3A_126] : memref<32768x128xf32, #tpu.memory_space<hbm>> -> memref<256x128xf32, #tpu.memory_space<hbm>>
    tpu.enqueue_dma source(%arg9 : memref<256x128xf32, #tpu.memory_space<vmem>>) target(%dma_start3A_127 : memref<256x128xf32, #tpu.memory_space<hbm>>) target_semaphore(%arg15 : memref<!tpu.dma_semaphore, #tpu.memory_space<semaphore_mem>>)
    %dma_wait3A_128 = arith.constant 0 : i32
    %dma_wait3A_129 = tpu.memref_slice %arg5[%add3A_112, %dma_wait3A_128] : memref<32768x128xf32, #tpu.memory_space<hbm>> -> memref<256x128xf32, #tpu.memory_space<hbm>>
    %dma_wait3A_130 = arith.constant 0 : i32
    %dma_wait3A_131 = tpu.memref_slice %arg5[%add3A_112, %dma_wait3A_130] : memref<32768x128xf32, #tpu.memory_space<hbm>> -> memref<256x128xf32, #tpu.memory_space<hbm>>
    tpu.wait_dma2 semaphore(%arg14 : memref<!tpu.dma_semaphore, #tpu.memory_space<semaphore_mem>>) src(%arg8 : memref<256x128xf32, #tpu.memory_space<vmem>>) dst(%dma_wait3A_131 : memref<256x128xf32, #tpu.memory_space<hbm>>)
    %dma_start3A_132 = arith.constant 768 : i32
    %dma_start3A_133 = tpu.memref_slice %arg7[%dma_start3A_132] : memref<1024xi32, #tpu.memory_space<vmem>> -> memref<256xi32, #tpu.memory_space<vmem>>
    %dma_start3A_134 = arith.constant 0 : i32
    %dma_start3A_135 = arith.constant 0 : i32
    %dma_start3A_136 = tpu.memref_slice %arg3[%dma_start3A_134, %dma_start3A_135] : memref<100000x128xf32, #tpu.memory_space<hbm>> -> memref<100000x128xf32, #tpu.memory_space<hbm>>
    tpu.enqueue_indirect_dma source(%dma_start3A_136 : memref<100000x128xf32, #tpu.memory_space<hbm>>) target(%arg8 : memref<256x128xf32, #tpu.memory_space<vmem>>) offsets(%dma_start3A_133 : memref<256xi32, #tpu.memory_space<vmem>>) semaphore(%arg14 : memref<!tpu.dma_semaphore, #tpu.memory_space<semaphore_mem>>)
    %dma_wait3A_137 = arith.constant 512 : i32
    %dma_wait3A_138 = tpu.memref_slice %arg7[%dma_wait3A_137] : memref<1024xi32, #tpu.memory_space<vmem>> -> memref<256xi32, #tpu.memory_space<vmem>>
    %dma_wait3A_139 = arith.constant 0 : i32
    %dma_wait3A_140 = arith.constant 0 : i32
    %dma_wait3A_141 = tpu.memref_slice %arg3[%dma_wait3A_139, %dma_wait3A_140] : memref<100000x128xf32, #tpu.memory_space<hbm>> -> memref<100000x128xf32, #tpu.memory_space<hbm>>
    tpu.wait_indirect_dma semaphore(%arg16 : memref<!tpu.dma_semaphore, #tpu.memory_space<semaphore_mem>>) src(%dma_wait3A_141 : memref<100000x128xf32, #tpu.memory_space<hbm>>) dst(%arg10 : memref<256x128xf32, #tpu.memory_space<vmem>>)
    %add3A_142 = arith.constant 512 : i32
    %add3A_143 = arith.addi %mul3A_2, %add3A_142 : i32
    %dma_start3A_144 = arith.constant 0 : i32
    %dma_start3A_145 = tpu.memref_slice %arg5[%add3A_143, %dma_start3A_144] : memref<32768x128xf32, #tpu.memory_space<hbm>> -> memref<256x128xf32, #tpu.memory_space<hbm>>
    %dma_start3A_146 = arith.constant 0 : i32
    %dma_start3A_147 = tpu.memref_slice %arg5[%add3A_143, %dma_start3A_146] : memref<32768x128xf32, #tpu.memory_space<hbm>> -> memref<256x128xf32, #tpu.memory_space<hbm>>
    tpu.enqueue_dma source(%arg10 : memref<256x128xf32, #tpu.memory_space<vmem>>) target(%dma_start3A_147 : memref<256x128xf32, #tpu.memory_space<hbm>>) target_semaphore(%arg16 : memref<!tpu.dma_semaphore, #tpu.memory_space<semaphore_mem>>)
    %dma_wait3A_148 = arith.constant 768 : i32
    %dma_wait3A_149 = tpu.memref_slice %arg7[%dma_wait3A_148] : memref<1024xi32, #tpu.memory_space<vmem>> -> memref<256xi32, #tpu.memory_space<vmem>>
    %dma_wait3A_150 = arith.constant 0 : i32
    %dma_wait3A_151 = arith.constant 0 : i32
    %dma_wait3A_152 = tpu.memref_slice %arg3[%dma_wait3A_150, %dma_wait3A_151] : memref<100000x128xf32, #tpu.memory_space<hbm>> -> memref<100000x128xf32, #tpu.memory_space<hbm>>
    tpu.wait_indirect_dma semaphore(%arg14 : memref<!tpu.dma_semaphore, #tpu.memory_space<semaphore_mem>>) src(%dma_wait3A_152 : memref<100000x128xf32, #tpu.memory_space<hbm>>) dst(%arg8 : memref<256x128xf32, #tpu.memory_space<vmem>>)
    %add3A_153 = arith.constant 768 : i32
    %add3A_154 = arith.addi %mul3A_2, %add3A_153 : i32
    %dma_start3A_155 = arith.constant 0 : i32
    %dma_start3A_156 = tpu.memref_slice %arg5[%add3A_154, %dma_start3A_155] : memref<32768x128xf32, #tpu.memory_space<hbm>> -> memref<256x128xf32, #tpu.memory_space<hbm>>
    %dma_start3A_157 = arith.constant 0 : i32
    %dma_start3A_158 = tpu.memref_slice %arg5[%add3A_154, %dma_start3A_157] : memref<32768x128xf32, #tpu.memory_space<hbm>> -> memref<256x128xf32, #tpu.memory_space<hbm>>
    tpu.enqueue_dma source(%arg8 : memref<256x128xf32, #tpu.memory_space<vmem>>) target(%dma_start3A_158 : memref<256x128xf32, #tpu.memory_space<hbm>>) target_semaphore(%arg14 : memref<!tpu.dma_semaphore, #tpu.memory_space<semaphore_mem>>)
    %dma_wait3A_159 = arith.constant 0 : i32
    %dma_wait3A_160 = tpu.memref_slice %arg5[%add3A_123, %dma_wait3A_159] : memref<32768x128xf32, #tpu.memory_space<hbm>> -> memref<256x128xf32, #tpu.memory_space<hbm>>
    %dma_wait3A_161 = arith.constant 0 : i32
    %dma_wait3A_162 = tpu.memref_slice %arg5[%add3A_123, %dma_wait3A_161] : memref<32768x128xf32, #tpu.memory_space<hbm>> -> memref<256x128xf32, #tpu.memory_space<hbm>>
    tpu.wait_dma2 semaphore(%arg15 : memref<!tpu.dma_semaphore, #tpu.memory_space<semaphore_mem>>) src(%arg9 : memref<256x128xf32, #tpu.memory_space<vmem>>) dst(%dma_wait3A_162 : memref<256x128xf32, #tpu.memory_space<hbm>>)
    %dma_wait3A_163 = arith.constant 0 : i32
    %dma_wait3A_164 = tpu.memref_slice %arg5[%add3A_143, %dma_wait3A_163] : memref<32768x128xf32, #tpu.memory_space<hbm>> -> memref<256x128xf32, #tpu.memory_space<hbm>>
    %dma_wait3A_165 = arith.constant 0 : i32
    %dma_wait3A_166 = tpu.memref_slice %arg5[%add3A_143, %dma_wait3A_165] : memref<32768x128xf32, #tpu.memory_space<hbm>> -> memref<256x128xf32, #tpu.memory_space<hbm>>
    tpu.wait_dma2 semaphore(%arg16 : memref<!tpu.dma_semaphore, #tpu.memory_space<semaphore_mem>>) src(%arg10 : memref<256x128xf32, #tpu.memory_space<vmem>>) dst(%dma_wait3A_166 : memref<256x128xf32, #tpu.memory_space<hbm>>)
    %dma_wait3A_167 = arith.constant 0 : i32
    %dma_wait3A_168 = tpu.memref_slice %arg5[%add3A_154, %dma_wait3A_167] : memref<32768x128xf32, #tpu.memory_space<hbm>> -> memref<256x128xf32, #tpu.memory_space<hbm>>
    %dma_wait3A_169 = arith.constant 0 : i32
    %dma_wait3A_170 = tpu.memref_slice %arg5[%add3A_154, %dma_wait3A_169] : memref<32768x128xf32, #tpu.memory_space<hbm>> -> memref<256x128xf32, #tpu.memory_space<hbm>>
    tpu.wait_dma2 semaphore(%arg14 : memref<!tpu.dma_semaphore, #tpu.memory_space<semaphore_mem>>) src(%arg8 : memref<256x128xf32, #tpu.memory_space<vmem>>) dst(%dma_wait3A_170 : memref<256x128xf32, #tpu.memory_space<hbm>>)
    %gt3A_171 = arith.constant 0 : i32
    %gt3A_172 = arith.cmpi sgt, %select_n3A, %gt3A_171 : i32
    %convert_element_type3A_173 = arith.extui %gt3A_172 : i1 to i32
    %cond3A_174 = arith.constant 0 : i32
    %cond3A_175 = arith.cmpi ne, %convert_element_type3A_173, %cond3A_174 : i32
    scf.if %cond3A_175 {
      %dma_wait3A_185 = arith.constant 0 : i32
      %dma_wait3A_186 = arith.constant 0 : i32
      %dma_wait3A_187 = tpu.memref_slice %arg12[%dma_wait3A_185, %dma_wait3A_186] : memref<65x16xi32, #tpu.memory_space<vmem>> -> memref<1x16xi32, #tpu.memory_space<vmem>>
      %dma_wait3A_188 = tpu.memref_squeeze %dma_wait3A_187 : memref<1x16xi32, #tpu.memory_space<vmem>> -> memref<16xi32, #tpu.memory_space<vmem>>
      %dma_wait3A_189 = arith.constant 0 : i32
      %dma_wait3A_190 = arith.constant 0 : i32
      %dma_wait3A_191 = tpu.memref_slice %arg4[%dma_wait3A_189, %dma_wait3A_190] : memref<1024x128xf32, #tpu.memory_space<hbm>> -> memref<1024x128xf32, #tpu.memory_space<hbm>>
      tpu.wait_indirect_dma semaphore(%arg17 : memref<!tpu.dma_semaphore, #tpu.memory_space<semaphore_mem>>) src(%dma_wait3A_191 : memref<1024x128xf32, #tpu.memory_space<hbm>>) dst(%arg13 : memref<16x128xf32, #tpu.memory_space<vmem>>)
      %dma_start3A_192 = arith.constant 0 : i32
      %dma_start3A_193 = arith.constant 0 : i32
      %dma_start3A_194 = tpu.memref_slice %arg11[%dma_start3A_192, %dma_start3A_193] : memref<65x16xi32, #tpu.memory_space<vmem>> -> memref<1x16xi32, #tpu.memory_space<vmem>>
      %dma_start3A_195 = tpu.memref_squeeze %dma_start3A_194 : memref<1x16xi32, #tpu.memory_space<vmem>> -> memref<16xi32, #tpu.memory_space<vmem>>
      %dma_start3A_196 = arith.constant 0 : i32
      %dma_start3A_197 = arith.constant 0 : i32
      %dma_start3A_198 = tpu.memref_slice %arg5[%dma_start3A_196, %dma_start3A_197] : memref<32768x128xf32, #tpu.memory_space<hbm>> -> memref<32768x128xf32, #tpu.memory_space<hbm>>
      tpu.enqueue_indirect_dma source(%arg13 : memref<16x128xf32, #tpu.memory_space<vmem>>) target(%dma_start3A_198 : memref<32768x128xf32, #tpu.memory_space<hbm>>) offsets(%dma_start3A_195 : memref<16xi32, #tpu.memory_space<vmem>>) semaphore(%arg17 : memref<!tpu.dma_semaphore, #tpu.memory_space<semaphore_mem>>)
      %dma_wait3A_199 = arith.constant 0 : i32
      %dma_wait3A_200 = arith.constant 0 : i32
      %dma_wait3A_201 = tpu.memref_slice %arg11[%dma_wait3A_199, %dma_wait3A_200] : memref<65x16xi32, #tpu.memory_space<vmem>> -> memref<1x16xi32, #tpu.memory_space<vmem>>
      %dma_wait3A_202 = tpu.memref_squeeze %dma_wait3A_201 : memref<1x16xi32, #tpu.memory_space<vmem>> -> memref<16xi32, #tpu.memory_space<vmem>>
      %dma_wait3A_203 = arith.constant 0 : i32
      %dma_wait3A_204 = arith.constant 0 : i32
      %dma_wait3A_205 = tpu.memref_slice %arg5[%dma_wait3A_203, %dma_wait3A_204] : memref<32768x128xf32, #tpu.memory_space<hbm>> -> memref<32768x128xf32, #tpu.memory_space<hbm>>
      tpu.wait_indirect_dma semaphore(%arg17 : memref<!tpu.dma_semaphore, #tpu.memory_space<semaphore_mem>>) src(%arg13 : memref<16x128xf32, #tpu.memory_space<vmem>>) dst(%dma_wait3A_205 : memref<32768x128xf32, #tpu.memory_space<hbm>>)
    } else {
    }
    %while3A = arith.constant 0 : i32
    %while3A_176 = arith.constant 1 : i32
    %while3A_177 = arith.subi %select_n3A, %while3A_176 : i32
    %while3A_178 = arith.addi %while3A_176, %while3A_177 : i32
    %while3A_179 = arith.constant 1 : i32
    %while3A_180 = arith.divsi %while3A_177, %while3A_179 : i32
    %while3A_181 = arith.muli %while3A_180, %while3A_179 : i32
    %while3A_182 = arith.addi %while3A_176, %while3A_181 : i32
    %while3A_183 = arith.constant 1 : i32
    scf.for %while3A_185 = %while3A_176 to %while3A_182 step %while3A_183  : i32 {
      %dma_start3A_186 = arith.constant 0 : i32
      %dma_start3A_187 = tpu.memref_slice %arg12[%while3A_185, %dma_start3A_186] : memref<65x16xi32, #tpu.memory_space<vmem>> -> memref<1x16xi32, #tpu.memory_space<vmem>>
      %dma_start3A_188 = tpu.memref_squeeze %dma_start3A_187 : memref<1x16xi32, #tpu.memory_space<vmem>> -> memref<16xi32, #tpu.memory_space<vmem>>
      %dma_start3A_189 = arith.constant 0 : i32
      %dma_start3A_190 = arith.constant 0 : i32
      %dma_start3A_191 = tpu.memref_slice %arg4[%dma_start3A_189, %dma_start3A_190] : memref<1024x128xf32, #tpu.memory_space<hbm>> -> memref<1024x128xf32, #tpu.memory_space<hbm>>
      tpu.enqueue_indirect_dma source(%dma_start3A_191 : memref<1024x128xf32, #tpu.memory_space<hbm>>) target(%arg13 : memref<16x128xf32, #tpu.memory_space<vmem>>) offsets(%dma_start3A_188 : memref<16xi32, #tpu.memory_space<vmem>>) semaphore(%arg17 : memref<!tpu.dma_semaphore, #tpu.memory_space<semaphore_mem>>)
      %dma_wait3A_192 = arith.constant 0 : i32
      %dma_wait3A_193 = tpu.memref_slice %arg12[%while3A_185, %dma_wait3A_192] : memref<65x16xi32, #tpu.memory_space<vmem>> -> memref<1x16xi32, #tpu.memory_space<vmem>>
      %dma_wait3A_194 = tpu.memref_squeeze %dma_wait3A_193 : memref<1x16xi32, #tpu.memory_space<vmem>> -> memref<16xi32, #tpu.memory_space<vmem>>
      %dma_wait3A_195 = arith.constant 0 : i32
      %dma_wait3A_196 = arith.constant 0 : i32
      %dma_wait3A_197 = tpu.memref_slice %arg4[%dma_wait3A_195, %dma_wait3A_196] : memref<1024x128xf32, #tpu.memory_space<hbm>> -> memref<1024x128xf32, #tpu.memory_space<hbm>>
      tpu.wait_indirect_dma semaphore(%arg17 : memref<!tpu.dma_semaphore, #tpu.memory_space<semaphore_mem>>) src(%dma_wait3A_197 : memref<1024x128xf32, #tpu.memory_space<hbm>>) dst(%arg13 : memref<16x128xf32, #tpu.memory_space<vmem>>)
      %dma_start3A_198 = arith.constant 0 : i32
      %dma_start3A_199 = tpu.memref_slice %arg11[%while3A_185, %dma_start3A_198] : memref<65x16xi32, #tpu.memory_space<vmem>> -> memref<1x16xi32, #tpu.memory_space<vmem>>
      %dma_start3A_200 = tpu.memref_squeeze %dma_start3A_199 : memref<1x16xi32, #tpu.memory_space<vmem>> -> memref<16xi32, #tpu.memory_space<vmem>>
      %dma_start3A_201 = arith.constant 0 : i32
      %dma_start3A_202 = arith.constant 0 : i32
      %dma_start3A_203 = tpu.memref_slice %arg5[%dma_start3A_201, %dma_start3A_202] : memref<32768x128xf32, #tpu.memory_space<hbm>> -> memref<32768x128xf32, #tpu.memory_space<hbm>>
      tpu.enqueue_indirect_dma source(%arg13 : memref<16x128xf32, #tpu.memory_space<vmem>>) target(%dma_start3A_203 : memref<32768x128xf32, #tpu.memory_space<hbm>>) offsets(%dma_start3A_200 : memref<16xi32, #tpu.memory_space<vmem>>) semaphore(%arg17 : memref<!tpu.dma_semaphore, #tpu.memory_space<semaphore_mem>>)
      %dma_wait3A_204 = arith.constant 0 : i32
      %dma_wait3A_205 = tpu.memref_slice %arg11[%while3A_185, %dma_wait3A_204] : memref<65x16xi32, #tpu.memory_space<vmem>> -> memref<1x16xi32, #tpu.memory_space<vmem>>
      %dma_wait3A_206 = tpu.memref_squeeze %dma_wait3A_205 : memref<1x16xi32, #tpu.memory_space<vmem>> -> memref<16xi32, #tpu.memory_space<vmem>>
      %dma_wait3A_207 = arith.constant 0 : i32
      %dma_wait3A_208 = arith.constant 0 : i32
      %dma_wait3A_209 = tpu.memref_slice %arg5[%dma_wait3A_207, %dma_wait3A_208] : memref<32768x128xf32, #tpu.memory_space<hbm>> -> memref<32768x128xf32, #tpu.memory_space<hbm>>
      tpu.wait_indirect_dma semaphore(%arg17 : memref<!tpu.dma_semaphore, #tpu.memory_space<semaphore_mem>>) src(%arg13 : memref<16x128xf32, #tpu.memory_space<vmem>>) dst(%dma_wait3A_209 : memref<32768x128xf32, #tpu.memory_space<hbm>>)
    }
    %while3A_184 = arith.constant 1 : i32
    scf.for %while3A_185 = %while3A_182 to %while3A_178 step %while3A_184  : i32 {
      %dma_start3A_186 = arith.constant 0 : i32
      %dma_start3A_187 = tpu.memref_slice %arg12[%while3A_185, %dma_start3A_186] : memref<65x16xi32, #tpu.memory_space<vmem>> -> memref<1x16xi32, #tpu.memory_space<vmem>>
      %dma_start3A_188 = tpu.memref_squeeze %dma_start3A_187 : memref<1x16xi32, #tpu.memory_space<vmem>> -> memref<16xi32, #tpu.memory_space<vmem>>
      %dma_start3A_189 = arith.constant 0 : i32
      %dma_start3A_190 = arith.constant 0 : i32
      %dma_start3A_191 = tpu.memref_slice %arg4[%dma_start3A_189, %dma_start3A_190] : memref<1024x128xf32, #tpu.memory_space<hbm>> -> memref<1024x128xf32, #tpu.memory_space<hbm>>
      tpu.enqueue_indirect_dma source(%dma_start3A_191 : memref<1024x128xf32, #tpu.memory_space<hbm>>) target(%arg13 : memref<16x128xf32, #tpu.memory_space<vmem>>) offsets(%dma_start3A_188 : memref<16xi32, #tpu.memory_space<vmem>>) semaphore(%arg17 : memref<!tpu.dma_semaphore, #tpu.memory_space<semaphore_mem>>)
      %dma_wait3A_192 = arith.constant 0 : i32
      %dma_wait3A_193 = tpu.memref_slice %arg12[%while3A_185, %dma_wait3A_192] : memref<65x16xi32, #tpu.memory_space<vmem>> -> memref<1x16xi32, #tpu.memory_space<vmem>>
      %dma_wait3A_194 = tpu.memref_squeeze %dma_wait3A_193 : memref<1x16xi32, #tpu.memory_space<vmem>> -> memref<16xi32, #tpu.memory_space<vmem>>
      %dma_wait3A_195 = arith.constant 0 : i32
      %dma_wait3A_196 = arith.constant 0 : i32
      %dma_wait3A_197 = tpu.memref_slice %arg4[%dma_wait3A_195, %dma_wait3A_196] : memref<1024x128xf32, #tpu.memory_space<hbm>> -> memref<1024x128xf32, #tpu.memory_space<hbm>>
      tpu.wait_indirect_dma semaphore(%arg17 : memref<!tpu.dma_semaphore, #tpu.memory_space<semaphore_mem>>) src(%dma_wait3A_197 : memref<1024x128xf32, #tpu.memory_space<hbm>>) dst(%arg13 : memref<16x128xf32, #tpu.memory_space<vmem>>)
      %dma_start3A_198 = arith.constant 0 : i32
      %dma_start3A_199 = tpu.memref_slice %arg11[%while3A_185, %dma_start3A_198] : memref<65x16xi32, #tpu.memory_space<vmem>> -> memref<1x16xi32, #tpu.memory_space<vmem>>
      %dma_start3A_200 = tpu.memref_squeeze %dma_start3A_199 : memref<1x16xi32, #tpu.memory_space<vmem>> -> memref<16xi32, #tpu.memory_space<vmem>>
      %dma_start3A_201 = arith.constant 0 : i32
      %dma_start3A_202 = arith.constant 0 : i32
      %dma_start3A_203 = tpu.memref_slice %arg5[%dma_start3A_201, %dma_start3A_202] : memref<32768x128xf32, #tpu.memory_space<hbm>> -> memref<32768x128xf32, #tpu.memory_space<hbm>>
      tpu.enqueue_indirect_dma source(%arg13 : memref<16x128xf32, #tpu.memory_space<vmem>>) target(%dma_start3A_203 : memref<32768x128xf32, #tpu.memory_space<hbm>>) offsets(%dma_start3A_200 : memref<16xi32, #tpu.memory_space<vmem>>) semaphore(%arg17 : memref<!tpu.dma_semaphore, #tpu.memory_space<semaphore_mem>>)
      %dma_wait3A_204 = arith.constant 0 : i32
      %dma_wait3A_205 = tpu.memref_slice %arg11[%while3A_185, %dma_wait3A_204] : memref<65x16xi32, #tpu.memory_space<vmem>> -> memref<1x16xi32, #tpu.memory_space<vmem>>
      %dma_wait3A_206 = tpu.memref_squeeze %dma_wait3A_205 : memref<1x16xi32, #tpu.memory_space<vmem>> -> memref<16xi32, #tpu.memory_space<vmem>>
      %dma_wait3A_207 = arith.constant 0 : i32
      %dma_wait3A_208 = arith.constant 0 : i32
      %dma_wait3A_209 = tpu.memref_slice %arg5[%dma_wait3A_207, %dma_wait3A_208] : memref<32768x128xf32, #tpu.memory_space<hbm>> -> memref<32768x128xf32, #tpu.memory_space<hbm>>
      tpu.wait_indirect_dma semaphore(%arg17 : memref<!tpu.dma_semaphore, #tpu.memory_space<semaphore_mem>>) src(%arg13 : memref<16x128xf32, #tpu.memory_space<vmem>>) dst(%dma_wait3A_209 : memref<32768x128xf32, #tpu.memory_space<hbm>>)
    }
    return
  }
}

</mosaic_0001>

<sc_bundles>
// kernel: _impl.3.cloned.1.call-start
scs
__scs_entry_jumppad:
0x0: {  	(pc) =	sbr.rel $0x88, $3  }
0x1: {  	(tag) =	ssettag $0x0;
	lr =	simm.s32 $0x1  }
0x2: {  	[smem:$0x3F9E] =	sst lr;
	_ =	strace $0xD0000000  }
0x3: {  	_ = 	snop  }
0x4: {  	_ = 	snop  }
0x5: {  	_ = 	snop  }
0x6: {  	_ = 	snop  }
0x7: {  	_ = 	snop  }
__scs_overlays_trampoline_lowered:
0x8: {  	[smem:$0x3FAD] =	sst s0  }
0x9: {  	[smem:$0x3FAE] =	sst s1  }
0xa: {  	[smem:$0x3FAF] =	sst s2  }
0xb: {  	[smem:$0x3FB0] =	sst s3  }
0xc: {  	[smem:$0x3FB1] =	sst s4  }
0xd: {  	[smem:$0x3FB2] =	sst s5  }
0xe: {  	[smem:$0x3FB3] =	sst s6  }
0xf: {  	[smem:$0x3FB4] =	sst s7  }
0x10: {  	[smem:$0x3FB5] =	sst s8  }
0x11: {  	[smem:$0x3FB6] =	sst s9;
	s0 =	simm.s32 @!p0 $0x0  }
0x12: {  	s1 =	sld [smem:$0x3F9C];
	s0 =	simm.s32 @p0 $0x1  }
0x13: {  	[smem:$0x3FB7] =	sst s0;
	s0 =	simm.s32 @!p1 $0x0  }
0x14: {  	s2 =	sld [smem:$0x3F9B];
	s0 =	simm.s32 @p1 $0x1  }
0x15: {  	[smem:$0x3FB8] =	sst s0;
	s0 =	simm.s32 @!p2 $0x0  }
0x16: {  	s3 =	sld [smem:$0x3FDB];
	s0 =	simm.s32 @p2 $0x1  }
0x17: {  	s4 =	simm.s32 $0x1BF5;
	[smem:$0x3FBA] =	sst s0  }
0x18: {  	s0 =	sld [smem:$0x3F9D];
	_ =	swait.ge [sflag:s4], $0x0  }
0x19: {  	s7 =	sld [smem:$0x3F9E]  }
0x1a: {  	s8 =	sadd.s32 $0xFFFFE003, lr  }
0x1b: {  	s9 =	sadd.s32 $0xFFFFFEF7, lr;
	s5 =	simm.s32 $0xFFFFFFFF;
	p2 =	slt.u32 s8, $0xFFFFF086  }
0x1c: {  	p1 =	slt.u32 s9, $0xF7A;
	s5 =	simm.s32 @!p2 $0x0  }
0x1d: {  	s5 =	simm.s32 @p1 $0x1;
	p0 =	seq.s32 s7, s2  }
0x1e: {  	s7 =	smul.u32 @!p0 $0xF7A, s2;
	p2 =	seq.s32 @!p0 s5, $0x0  }
0x1f: {  	s9 =	smul.u32 $0xF7A, s1;
	s8 =	simm.s32 @!p0 $0x1BF5;
	p2 =	por !p2, p0  }
0x20: {  	[sflag:s8] =	ssyncset.s32 @!p0 $0xFFFFF086;
	s6 =	sadd.s32 @!p0 s3, s7;
	s7 =	simm.s32 @!p0 $0x108  }
0x21: {  	s3 =	sadd.s32 s3, s9;
	s6 =	sadd.s32 @!p0 $0x88, s6;
	s7 =	simm.s32 @p2 $0x1082  }
0x22: {  	[simem:s7], [sflag:s8] =	dma.local @!p0 [hbm:s6], $0xF7A  }
0x23: {  	s9 =	sor.u32 $0xD0000000, s2;
	s6 =	simm.s32 $0x108;
	_ =	swait.ge @!p0 [sflag:s8], $0x0  }
0x24: {  	s3 =	sadd.s32 $0x88, s3;
	s6 =	simm.s32 @!p1 $0x1082;
	[sflag:s4] =	ssyncset.s32 $0xFFFFF086  }
0x25: {  	[simem:s6], [sflag:s4] =	dma.local [hbm:s3], $0xF7A  }
0x26: {  	[smem:$0x3F9E] =	sst s1;
	(tag) =	ssettag s2;
	_ =	strace s9  }
0x27: {  	s1 =	sld [smem:$0x3FAE]  }
0x28: {  	s2 =	sld [smem:$0x3FAF]  }
0x29: {  	s4 =	sld [smem:$0x3FB1]  }
0x2a: {  	p0 =	seq.s32 s5, $0x0;
	s5 =	sld [smem:$0x3FB2]  }
0x2b: {  	s6 =	sld [smem:$0x3FB3]  }
0x2c: {  	s7 =	sld [smem:$0x3FB4]  }
0x2d: {  	s3 =	simm.s32 $0x108;
	s8 =	sld [smem:$0x3FB5]  }
0x2e: {  	s3 =	simm.s32 @!p0 $0x1082;
	s9 =	sld [smem:$0x3FB6]  }
0x2f: {  	lr =	sadd.s32 s0, s3;
	s0 =	sld [smem:$0x3FAD]  }
0x30: {  	s3 =	sld [smem:$0x3FB0]  }
0x31: {  	[smem:$0x3FB9] =	sst s10  }
0x32: {  	s10 =	sld [smem:$0x3FB7];
	_ =	sdelay $0x3  }
0x33: {  	p0 =	seq.s32 s10, $0x1;
	s10 =	sld [smem:$0x3FB9];
	_ =	sdelay $0x3  }
0x34: {  	[smem:$0x3FB9] =	sst s10  }
0x35: {  	s10 =	sld [smem:$0x3FB8];
	_ =	sdelay $0x3  }
0x36: {  	p1 =	seq.s32 s10, $0x1;
	s10 =	sld [smem:$0x3FB9];
	_ =	sdelay $0x3  }
0x37: {  	[smem:$0x3FB9] =	sst s10  }
0x38: {  	s10 =	sld [smem:$0x3FBA]  }
0x39: {  	_ = 	snop;
	(pc) =	sbr.ind lr, $3  }
0x3a: {  	_ = 	snop  }
0x3b: {  	_ = 	snop  }
0x3c: {  	p2 =	seq.s32 s10, $0x1;
	s10 =	sld [smem:$0x3FB9]  }
0x3d: {  	_ =	shalt  }
0x3e: {  	_ =	shalt  }
0x3f: {  	_ =	shalt  }
0x40: {  	_ =	shalt  }
0x41: {  	_ =	shalt  }
0x42: {  	_ =	shalt  }
0x43: {  	_ =	shalt  }
0x44: {  	_ =	shalt  }
0x45: {  	_ =	shalt  }
0x46: {  	_ =	shalt  }
0x47: {  	_ =	shalt  }
0x48: {  	_ =	shalt  }
0x49: {  	_ =	shalt  }
0x4a: {  	_ =	shalt  }
0x4b: {  	_ =	shalt  }
0x4c: {  	_ =	shalt  }
0x4d: {  	_ =	shalt  }
0x4e: {  	_ =	shalt  }
0x4f: {  	_ =	shalt  }
0x50: {  	_ =	shalt  }
0x51: {  	_ =	shalt  }
0x52: {  	_ =	shalt  }
0x53: {  	_ =	shalt  }
0x54: {  	_ =	shalt  }
0x55: {  	_ =	shalt  }
0x56: {  	_ =	shalt  }
0x57: {  	_ =	shalt  }
0x58: {  	_ =	shalt  }
0x59: {  	_ =	shalt  }
0x5a: {  	_ =	shalt  }
0x5b: {  	_ =	shalt  }
0x5c: {  	_ =	shalt  }
0x5d: {  	_ =	shalt  }
0x5e: {  	_ =	shalt  }
0x5f: {  	_ =	shalt  }
0x60: {  	_ =	shalt  }
0x61: {  	_ =	shalt  }
0x62: {  	_ =	shalt  }
0x63: {  	_ =	shalt  }
0x64: {  	_ =	shalt  }
0x65: {  	_ =	shalt  }
0x66: {  	_ =	shalt  }
0x67: {  	_ =	shalt  }
0x68: {  	_ =	shalt  }
0x69: {  	_ =	shalt  }
0x6a: {  	_ =	shalt  }
0x6b: {  	_ =	shalt  }
0x6c: {  	_ =	shalt  }
0x6d: {  	_ =	shalt  }
0x6e: {  	_ =	shalt  }
0x6f: {  	_ =	shalt  }
0x70: {  	_ =	shalt  }
0x71: {  	_ =	shalt  }
0x72: {  	_ =	shalt  }
0x73: {  	_ =	shalt  }
0x74: {  	_ =	shalt  }
0x75: {  	_ =	shalt  }
0x76: {  	_ =	shalt  }
0x77: {  	_ =	shalt  }
0x78: {  	_ =	shalt  }
0x79: {  	_ =	shalt  }
0x7a: {  	_ =	shalt  }
0x7b: {  	_ =	shalt  }
0x7c: {  	_ =	shalt  }
0x7d: {  	_ =	shalt  }
0x7e: {  	_ =	shalt  }
0x7f: {  	_ =	shalt  }
0x80: {  	_ =	shalt  }
0x81: {  	_ =	shalt  }
0x82: {  	_ =	shalt  }
0x83: {  	_ =	shalt  }
0x84: {  	_ =	shalt  }
0x85: {  	_ =	shalt  }
0x86: {  	_ =	shalt  }
0x87: {  	_ =	shalt  }
.Lfunc_end0:
.L_simem_size_0:
called_computation_lowered:
.L_overlay_start_0:
0x88: {  	s2 =	sld [smem:$0x3FD9]  }
0x89: {  	s3 =	sld [smem:$0x3FFE];
	_ =	sdelay $0x1  }
0x8a: {  	s1 =	srdreg.scid  }
0x8b: {  	s0 =	sand.u32 $0x1, s1  }
0x8c: {  	s18 =	sshll.u32 s0, $0xA;
	s2 =	sadd.s32 s3, s2  }
0x8d: {  	s2 =	sadd.s32 s2, s18  }
0x8e: {  	[smem:$0x3FC5] =	sst s2  }
0x8f: {  	_ = 	snop  }
0x90: {  	s2 =	sld [smem:$0x3FC9]  }
0x91: {  	s19 =	sld [smem:$0x3FC8]  }
0x92: {  	s4 =	sld [smem:$0x3FC7]  }
0x93: {  	s5 =	sld [smem:$0x3FD0];
	(tm) =	ssettm $0x1  }
0x94: {  	s6 =	sld [smem:$0x3FFB];
	_ =	sdelay $0x3  }
0x95: {  	_ =	strace s6  }
0x96: {  	s6 =	sld [smem:$0x3FFC];
	_ =	sdelay $0x3  }
0x97: {  	_ =	strace s6  }
0x98: {  	s6 =	sld [smem:$0x3FFD];
	_ =	sdelay $0x3  }
0x99: {  	_ =	strace s6  }
0x9a: {  	_ =	strace $0x8FFFFFFF  }
0x9b: {  	s20 =	sld [smem:$0x3FDB];
	_ =	sdelay $0x1  }
0x9c: {  	s7 =	simm.s32 $_scs_section_size  }
0x9d: {  	s8 =	simm.s32 $_size__tile_overlayer_lowered;
	s9 =	simm.s32 $_tile_overlayer_lowered  }
0x9e: {  	s23 =	simm.s32 $0x1BFF;
	s22 =	sshll.u32 s9, $0x1;
	s6 =	sadd.s32 s7, s20  }
0x9f: {  	s10 =	simm.s32 $0x0;
	s21 =	sshll.u32 s8, $0x1;
	s8 =	sadd.s32 s22, s6  }
0xa0: {  	[timem:s10], [sflag:s23] =	dma.local [hbm:s8], s21  }
0xa1: {  	_ =	swait.ge [sflag:s23], s21  }
0xa2: {  	s7 =	ssub.s32 $0x0, s21;
	[sflag:s23] =	ssyncset.done $0x0  }
0xa3: {  	[sflag:s23] =	ssyncadd.s32 s7;
	_ =	sdelay $0x1  }
0xa4: {  	s24 =	simm.s32 $0x1B8B  }
0xa5: {  	_ =	swait.ge [sflag:s24], $0x1  }
0xa6: {  	[sflag:s24] =	ssyncset.done $0x0  }
0xa7: {  	s25 =	simm.s32 $0x1B8E;
	[sflag:s24] =	ssyncadd.s32 $0xFFFFFFFF  }
0xa8: {  	s26 =	simm.s32 $execute0_lowered;
	[smem:$0x3FD2] =	sst s25  }
0xa9: {  	s7 =	sshll.u32 s26, $0x1;
	_ =	strace $0x80000046;
	[dreg:$0x1] =	wrdreg $0xFFFFFFFF  }
0xaa: {  	s28 =	simm.s32 $_size_execute0_lowered;
	s6 =	sadd.s32 s6, s7;
	[dreg:$0x0] =	wrdreg $0x0  }
0xab: {  	s7 =	sshll.u32 s28, $0x1;
	[dreg:$0x2] =	wrdreg s6  }
0xac: {  	[dreg:$0x3] =	wrdreg s7  }
0xad: {  	[dreg:$0x4] =	wrdreg $0xC0  }
0xae: {  	_ =	task [dreg:s10], $0x5FFFF  }
0xaf: {  	[dreg:$0x1] =	wrdreg $0xFFFFFFFF  }
0xb0: {  	[dreg:$0x0] =	wrdreg $0x60  }
0xb1: {  	[dreg:$0x2] =	wrdreg s2  }
0xb2: {  	[dreg:$0x3] =	wrdreg s19  }
0xb3: {  	[dreg:$0x4] =	wrdreg s4  }
0xb4: {  	[dreg:$0x5] =	wrdreg s5  }
0xb5: {  	[dreg:$0x6] =	wrdreg $0x9  }
0xb6: {  	_ =	task.clear_ibuf [dreg:s10], $0x7FFFF;
	_ =	strace $0x90000046  }
0xb7: {  	s29 =	simm.s32 $0x9;
	_ =	strace $0x80000048  }
0xb8: {  	_ =	swait.ge [sflag:s29], $0x1  }
0xb9: {  	[sflag:s29] =	ssyncadd.s32 $0xFFFFFFFF  }
0xba: {  	_ =	strace $0x90000048  }
0xbb: {  	_ =	sfence  }
0xbc: {  	s30 =	sld [smem:$0x0];
	_ =	sdelay $0x2  }
0xbd: {  	s31 =	sshll.u32 s1, $0xD;
	s1 =	sshrl.u32 s1, $0x2  }
0xbe: {  	s3 =	sand.u32 $0x4000, s31;
	s1 =	sadd.s32 s1, s30  }
0xbf: {  	s0 =	sor.u32 s3, s0;
	s1 =	sshll.u32 s1, $0x11  }
0xc0: {  	s0 =	sor.u32 s1, s0  }
0xc1: {  	s0 =	sadd.s32 $0x8F2B, s0  }
0xc2: {  	[sflag:s0] =	ssyncadd.remote.s32 $0x1  }
0xc3: {  	_ =	sfence.sel $0xFFFF  }
0xc4: {  	[dreg:$0x0] =	wrdreg $0xFFFFFFFF;
	(pc) =	sbr.abs _section_cstart, $3  }
0xc5: {  	[dreg:$0x1] =	wrdreg $0xFFFFFFFF  }
0xc6: {  	_ =	task.clear_ibuf [dreg:s10], $0x2FFFF;
	_ =	strace $0x9FFFFFFF  }
0xc7: {  	(tm) =	ssettm $0x7FFFFFFF  }
tec
execute0_lowered:
.L_overlay_start_1:
0x0: {  	(tag) =	ssettag $0x1  }
0x1: {  	s0 =	rddreg [dreg:$0x0]  }
0x2: {  	s1 =	rddreg [dreg:$0x1]  }
0x3: {  	s3 =	rddreg [dreg:$0x2]  }
0x4: {  	s4 =	rddreg [dreg:$0x3]  }
0x5: {  	s2 =	srdreg.scid;
	s6 =	stileid.u32  }
0x6: {  	s5 =	simm.s32 $0x0;
	s16 =	simm.s32 $0x5;
	s17 =	simm.s32 $0x1AC00  }
0x7: {  	s18 =	simm.s32 $0x18800;
	s19 =	simm.s32 $0x100;
	s21 =	simm.s32 $0x800  }
0x8: {  	s23 =	simm.s32 $0x8800;
	s25 =	simm.s32 $0x10800;
	s28 =	simm.s32 $0x2  }
0x9: {  	s30 =	simm.s32 $0x3;
	s31 =	simm.s32 $0x10;
	s2 =	sand.u32 $0x1, s2  }
0xa: {  	s20 =	simm.s32 $0x0;
	s6 =	sshll.u32 s6, $0xB;
	s7 =	sshll.u32 s2, $0xA  }
0xb: {  	[smem:$0x7FF] =	sst s5;
	s2 =	ssub.s32 $0x2, s2;
	s22 =	sor.u32 s7, s6  }
0xc: {  	_ =	strace $0x80000047;
	s8 =	sshrl.u32 s2, $0x1;
	s6 =	sshll.u32 s22, $0x4  }
0xd: {  	s9 =	sshrl.u32 s22, $0x3;
	s2 =	ssub.s32 s2, s8;
	s13 =	sor.u32 $0x100, s22  }
.Ltmp0:
0xe: {  	s14 =	sor.u32 $0x200, s22;
	s15 =	sor.u32 $0x300, s22;
	(pc) =	sbr.rel .LBB2_1-.Ltmp0, $4  }
0xf: {  	s7 =	sadd.s32 s4, s6;
	s0 =	sadd.s32 s0, s9;
	s12 =	smax.u32 s2, $0x1  }
0x10: {  	s2 =	simm.s32 $0x4;
	[dreg:$0x5] =	wrdreg s0;
	s26 =	sadd.s32 $0x1000, s7  }
0x11: {  	s29 =	sadd.s32 $0x2000, s7;
	s11 =	sadd.s32 $0x3000, s7;
	[dreg:$0x6] =	wrdreg s26  }
0x12: {  	v0 =	vimm.s32 $0x0;
	v1 =	vlaneseq.u32;
	s0 =	simm.s32 $0x1D000;
	[dreg:$0x7] =	wrdreg s29;
	s26 =	simm.s32 $0x1  }
.LBB2_12:
0x13: {  	[sflag:s2] =	ssyncadd.s32 $0xFFFFF800  }
.LBB2_13:
0x14: {  	s20 =	sadd.s32 $0x1, s20  }
0x15: {  	p0 =	sne.s32 s20, s12  }
.Ltmp1:
0x16: {  	_ = 	snop;
	(pc) =	sbr.rel @!p0 .LBB2_14-.Ltmp1, $1  }
0x17: {  	_ =	sdelay $0x3  }
.LBB2_1:
0x18: {  	s6 =	rddreg [dreg:$0x5]  }
0x19: {  	[tilespmem:s5], [sflag:$0x5] =	stream.linear.gather [hbm4b:s6+s5], $0x400, $0x38;
	[tilespmem:$0x1D800] =	vst v63  }
0x1a: {  	_ =	swait.ge [sflag:s16], $0x400  }
0x1b: {  	[sflag:s16] =	ssyncset.done $0x0  }
0x1c: {  	[sflag:s16] =	ssyncadd.s32 $0xFFFFFC00  }
0x1d: {  	v2 =	vld [tilespmem:$0x0]  }
0x1e: {  	v3 =	vld [tilespmem:$0x10]  }
0x1f: {  	v4 =	vld [tilespmem:$0x20]  }
0x20: {  	v5 =	vld [tilespmem:$0x30]  }
0x21: {  	v6 =	vld [tilespmem:$0x40]  }
0x22: {  	v7 =	vld [tilespmem:$0x50];
	vm0 =	vgt.s32 v2, $0x1869F  }
0x23: {  	v8 =	vld [tilespmem:$0x60];
	vm12 =	vgt.s32 v3, $0x1869F;
	v2 =	vsel vm0, $0x0, v2  }
0x24: {  	vm13 =	vgt.s32 v4, $0x1869F;
	[tilespmem:$0x400] =	vst v2;
	v2 =	vsel vm12, $0x0, v3;
	v3 =	vld [tilespmem:$0x70]  }
0x25: {  	vm14 =	vgt.s32 v5, $0x1869F;
	[tilespmem:$0x410] =	vst v2;
	v2 =	vsel vm13, $0x0, v4;
	v4 =	vld [tilespmem:$0x80]  }
0x26: {  	vm15 =	vgt.s32 v6, $0x1869F;
	[tilespmem:$0x420] =	vst v2;
	v2 =	vsel vm14, $0x0, v5;
	v5 =	vld [tilespmem:$0x90]  }
0x27: {  	vm4 =	vgt.s32 v7, $0x1869F;
	[tilespmem:$0x430] =	vst v2;
	v2 =	vsel vm15, $0x0, v6;
	v6 =	vld [tilespmem:$0xA0]  }
0x28: {  	vm5 =	vgt.s32 v8, $0x1869F;
	[tilespmem:$0x440] =	vst v2;
	v2 =	vsel vm4, $0x0, v7;
	v7 =	vld [tilespmem:$0xB0]  }
0x29: {  	v63 =	vld [tilespmem:$0xC0];
	[tilespmem:$0x450] =	vst v2;
	v2 =	vsel vm5, $0x0, v8;
	vm6 =	vgt.s32 v3, $0x1869F  }
0x2a: {  	[tilespmem:$0x460] =	vst v2;
	v2 =	vsel vm6, $0x0, v3;
	vm7 =	vgt.s32 v4, $0x1869F;
	v3 =	vld [tilespmem:$0xD0]  }
0x2b: {  	[tilespmem:$0x470] =	vst v2;
	v2 =	vsel vm7, $0x0, v4;
	vm8 =	vgt.s32 v5, $0x1869F;
	v4 =	vld [tilespmem:$0xE0]  }
0x2c: {  	[tilespmem:$0x480] =	vst v2;
	v2 =	vsel vm8, $0x0, v5;
	vm9 =	vgt.s32 v6, $0x1869F;
	v5 =	vld [tilespmem:$0xF0]  }
0x2d: {  	[tilespmem:$0x490] =	vst v2;
	v2 =	vsel vm9, $0x0, v6;
	vm10 =	vgt.s32 v7, $0x1869F  }
0x2e: {  	vm11 =	vgt.s32 v63, $0x1869F;
	[tilespmem:$0x4A0] =	vst v2;
	v2 =	vsel vm10, $0x0, v7  }
0x2f: {  	[tilespmem:$0x4B0] =	vst v2;
	v2 =	vsel vm11, $0x0, v63;
	vm12 =	vgt.s32 v3, $0x1869F  }
0x30: {  	[tilespmem:$0x4C0] =	vst v2;
	v2 =	vsel vm12, $0x0, v3;
	vm13 =	vgt.s32 v4, $0x1869F  }
0x31: {  	[tilespmem:$0x4D0] =	vst v2;
	v2 =	vsel vm13, $0x0, v4;
	vm14 =	vgt.s32 v5, $0x1869F  }
0x32: {  	[tilespmem:$0x4E0] =	vst v2;
	v2 =	vsel vm14, $0x0, v5  }
0x33: {  	s24 =	simm.s32 $0x0;
	[tilespmem:$0x4F0] =	vst v2  }
0x34: {  	v2 =	vld [tilespmem:s24+$0x100];
	_ =	sdelay $0x4  }
0x35: {  	vm15 =	vgt.s32 v2, $0x1869F  }
0x36: {  	v3 =	vsel vm15, $0x1, v0  }
0x37: {  	(xrf0) =	vadd.scan.msk.s32 $0xffff, v3;
	_ =	sdelay $0x5  }
0x38: {  	v3, _, _ =	vpop (xrf0)  }
0x39: {  	v3 =	vadd.s32 v3, v0  }
0x3a: {  	v3 =	vadd.s32 $0xFFFFFFFF, v3  }
0x3b: {  	v4 =	vshll.u32 v3, $0x3  }
0x3c: {  	v3 =	vand.u32 $0xF, v3;
	v4 =	vand.u32 $0xFFFFFF80, v4  }
0x3d: {  	v3 =	vor.u32 v3, v4;
	_ =	sdelay $0x2  }
0x3e: {  	v4 =	vsel vm15, $0x0, v2  }
0x3f: {  	v5 =	vmpcnt.ones.xlane vm15;
	v2 =	vadd.s32 $0xFFFE7960, v2;
	[tilespmem:s24+$0x500] =	vst v4;
	v4 =	vor.u32 s13, v1  }
0x40: {  	[tilespmem:v3+s17+$0x0] =	vst.idx.msk vm15, v2  }
0x41: {  	s24 =	simm.s32 $0x10;
	v2 =	vadd.s32 v0, v5;
	[tilespmem:v3+s18+$0x0] =	vst.idx.msk vm15, v4  }
0x42: {  	s29 =	simm.s32 $0x80;
	s6 =	smov.u32 s13;
	v4 =	vmov v2;
	v3 =	vld [tilespmem:s24+$0x100]  }
.LBB2_2:
0x43: {  	p0 =	sne.s32 s29, $0x3C0;
	_ =	sdelay $0x3  }
0x44: {  	vm0 =	vgt.s32 v3, $0x1869F  }
0x45: {  	v5 =	vsel vm0, $0x1, v0;
	v6 =	vmpcnt.ones.xlane vm0  }
0x46: {  	(xrf0) =	vadd.scan.msk.s32 $0xffff, v5  }
0x47: {  	v2 =	vadd.s32 v2, v6;
	_ =	sdelay $0x4  }
0x48: {  	v5, _, _ =	vpop (xrf0)  }
0x49: {  	v5 =	vadd.s32 v5, v4;
	v4 =	vmov v2  }
0x4a: {  	v5 =	vadd.s32 $0xFFFFFFFF, v5  }
0x4b: {  	v6 =	vshll.u32 v5, $0x3  }
0x4c: {  	v5 =	vand.u32 $0xF, v5;
	v6 =	vand.u32 $0xFFFFFF80, v6  }
0x4d: {  	v5 =	vor.u32 v5, v6;
	_ =	sdelay $0x2  }
.Ltmp2:
0x4e: {  	v6 =	vsel vm0, $0x0, v3;
	(pc) =	sbr.rel @p0 .LBB2_2-.Ltmp2, $4  }
0x4f: {  	s6 =	sadd.s32 $0x10, s6;
	v3 =	vadd.s32 $0xFFFE7960, v3;
	[tilespmem:s24+$0x500] =	vst v6  }
0x50: {  	[tilespmem:v5+s17+$0x0] =	vst.idx.msk vm0, v3;
	v3 =	vor.u32 s6, v1  }
0x51: {  	s24 =	sshra.s32 s29, $0x2;
	[tilespmem:v5+s18+$0x0] =	vst.idx.msk vm0, v3  }
0x52: {  	s29 =	sadd.s32 $0x40, s29;
	v3 =	vld [tilespmem:s24+$0x100]  }
0x53: {  	_ =	sdelay $0x3  }
0x54: {  	vm0 =	vgt.s32 v3, $0x1869F  }
0x55: {  	v5 =	vsel vm0, $0x1, v0  }
0x56: {  	(xrf0) =	vadd.scan.msk.s32 $0xffff, v5;
	_ =	sdelay $0x5  }
0x57: {  	v5, _, _ =	vpop (xrf0)  }
0x58: {  	v4 =	vadd.s32 v5, v4  }
0x59: {  	v4 =	vadd.s32 $0xFFFFFFFF, v4  }
0x5a: {  	v5 =	vshll.u32 v4, $0x3  }
0x5b: {  	v4 =	vand.u32 $0xF, v4;
	v5 =	vand.u32 $0xFFFFFF80, v5  }
0x5c: {  	v4 =	vor.u32 v4, v5;
	_ =	sdelay $0x2  }
0x5d: {  	v5 =	vsel vm0, $0x0, v3  }
0x5e: {  	s6 =	sadd.s32 $0x10, s6;
	v3 =	vadd.s32 $0xFFFE7960, v3;
	[tilespmem:s24+$0x500] =	vst v5  }
0x5f: {  	[tilespmem:v4+s17+$0x0] =	vst.idx.msk vm0, v3;
	v3 =	vor.u32 s6, v1  }
0x60: {  	s10 =	simm.s32 $0x400;
	s24 =	simm.s32 $0x0;
	[tilespmem:v4+s18+$0x0] =	vst.idx.msk vm0, v3  }
0x61: {  	[tilespmem:s21], [sflag:$0x1] =	stream.indirect.gather [hbm4b:s1+s19], $0x80, s10, s19, $0xb8;
	[tilespmem:$0x1D800] =	vst v63  }
0x62: {  	v3 =	vld [tilespmem:s24+$0x200];
	_ =	sdelay $0x4  }
0x63: {  	vm1 =	vgt.s32 v3, $0x1869F  }
0x64: {  	v4 =	vsel vm1, $0x1, v0  }
0x65: {  	(xrf0) =	vadd.scan.msk.s32 $0xffff, v4;
	_ =	sdelay $0x1  }
0x66: {  	v4 =	vmpcnt.ones.xlane vm0;
	_ =	sdelay $0x3  }
0x67: {  	v2 =	vadd.s32 v2, v4;
	v4, _, _ =	vpop (xrf0)  }
0x68: {  	v4 =	vadd.s32 v4, v2  }
0x69: {  	v4 =	vadd.s32 $0xFFFFFFFF, v4  }
0x6a: {  	v5 =	vshll.u32 v4, $0x3  }
0x6b: {  	v4 =	vand.u32 $0xF, v4;
	v5 =	vand.u32 $0xFFFFFF80, v5  }
0x6c: {  	v4 =	vor.u32 v4, v5;
	_ =	sdelay $0x2  }
0x6d: {  	v5 =	vsel vm1, $0x0, v3  }
0x6e: {  	v6 =	vmpcnt.ones.xlane vm1;
	v3 =	vadd.s32 $0xFFFE7960, v3;
	[tilespmem:s24+$0x600] =	vst v5  }
0x6f: {  	[tilespmem:v4+s17+$0x0] =	vst.idx.msk vm1, v3;
	v3 =	vor.u32 s14, v1  }
0x70: {  	v2 =	vadd.s32 v2, v6;
	s24 =	simm.s32 $0x10;
	[tilespmem:v4+s18+$0x0] =	vst.idx.msk vm1, v3  }
0x71: {  	s29 =	simm.s32 $0x80;
	s6 =	smov.u32 s14;
	v4 =	vmov v2;
	v3 =	vld [tilespmem:s24+$0x200]  }
.LBB2_4:
0x72: {  	p0 =	sne.s32 s29, $0x3C0;
	_ =	sdelay $0x3  }
0x73: {  	vm0 =	vgt.s32 v3, $0x1869F  }
0x74: {  	v5 =	vsel vm0, $0x1, v0;
	v6 =	vmpcnt.ones.xlane vm0  }
0x75: {  	(xrf0) =	vadd.scan.msk.s32 $0xffff, v5  }
0x76: {  	v2 =	vadd.s32 v2, v6;
	_ =	sdelay $0x4  }
0x77: {  	v5, _, _ =	vpop (xrf0)  }
0x78: {  	v5 =	vadd.s32 v5, v4;
	v4 =	vmov v2  }
0x79: {  	v5 =	vadd.s32 $0xFFFFFFFF, v5  }
0x7a: {  	v6 =	vshll.u32 v5, $0x3  }
0x7b: {  	v5 =	vand.u32 $0xF, v5;
	v6 =	vand.u32 $0xFFFFFF80, v6  }
0x7c: {  	v5 =	vor.u32 v5, v6;
	_ =	sdelay $0x2  }
.Ltmp3:
0x7d: {  	v6 =	vsel vm0, $0x0, v3;
	(pc) =	sbr.rel @p0 .LBB2_4-.Ltmp3, $4  }
0x7e: {  	s6 =	sadd.s32 $0x10, s6;
	v3 =	vadd.s32 $0xFFFE7960, v3;
	[tilespmem:s24+$0x600] =	vst v6  }
0x7f: {  	[tilespmem:v5+s17+$0x0] =	vst.idx.msk vm0, v3;
	v3 =	vor.u32 s6, v1  }
0x80: {  	s24 =	sshra.s32 s29, $0x2;
	[tilespmem:v5+s18+$0x0] =	vst.idx.msk vm0, v3  }
0x81: {  	s29 =	sadd.s32 $0x40, s29;
	v3 =	vld [tilespmem:s24+$0x200]  }
0x82: {  	_ =	sdelay $0x3  }
0x83: {  	vm0 =	vgt.s32 v3, $0x1869F  }
0x84: {  	v5 =	vsel vm0, $0x1, v0  }
0x85: {  	(xrf0) =	vadd.scan.msk.s32 $0xffff, v5;
	_ =	sdelay $0x5  }
0x86: {  	v5, _, _ =	vpop (xrf0)  }
0x87: {  	v4 =	vadd.s32 v5, v4  }
0x88: {  	v4 =	vadd.s32 $0xFFFFFFFF, v4  }
0x89: {  	v5 =	vshll.u32 v4, $0x3  }
0x8a: {  	v4 =	vand.u32 $0xF, v4;
	v5 =	vand.u32 $0xFFFFFF80, v5  }
0x8b: {  	v4 =	vor.u32 v4, v5;
	_ =	sdelay $0x2  }
0x8c: {  	v5 =	vsel vm0, $0x0, v3  }
0x8d: {  	s6 =	sadd.s32 $0x10, s6;
	v3 =	vadd.s32 $0xFFFE7960, v3;
	[tilespmem:s24+$0x600] =	vst v5  }
0x8e: {  	[tilespmem:v4+s17+$0x0] =	vst.idx.msk vm0, v3;
	v3 =	vor.u32 s6, v1  }
0x8f: {  	s10 =	simm.s32 $0x500;
	s24 =	simm.s32 $0x0;
	[tilespmem:v4+s18+$0x0] =	vst.idx.msk vm0, v3  }
0x90: {  	[tilespmem:s23], [sflag:$0x2] =	stream.indirect.gather [hbm4b:s1+s19], $0x80, s10, s19, $0xb8;
	[tilespmem:$0x1D800] =	vst v63  }
0x91: {  	v3 =	vld [tilespmem:s24+$0x300];
	_ =	sdelay $0x4  }
0x92: {  	vm1 =	vgt.s32 v3, $0x1869F  }
0x93: {  	v4 =	vsel vm1, $0x1, v0  }
0x94: {  	(xrf0) =	vadd.scan.msk.s32 $0xffff, v4;
	_ =	sdelay $0x1  }
0x95: {  	v4 =	vmpcnt.ones.xlane vm0;
	_ =	sdelay $0x3  }
0x96: {  	v2 =	vadd.s32 v2, v4;
	v4, _, _ =	vpop (xrf0)  }
0x97: {  	v4 =	vadd.s32 v4, v2  }
0x98: {  	v4 =	vadd.s32 $0xFFFFFFFF, v4  }
0x99: {  	v5 =	vshll.u32 v4, $0x3  }
0x9a: {  	v4 =	vand.u32 $0xF, v4;
	v5 =	vand.u32 $0xFFFFFF80, v5  }
0x9b: {  	v4 =	vor.u32 v4, v5;
	_ =	sdelay $0x2  }
0x9c: {  	v5 =	vsel vm1, $0x0, v3  }
0x9d: {  	v6 =	vmpcnt.ones.xlane vm1;
	v3 =	vadd.s32 $0xFFFE7960, v3;
	[tilespmem:s24+$0x700] =	vst v5  }
0x9e: {  	[tilespmem:v4+s17+$0x0] =	vst.idx.msk vm1, v3;
	v3 =	vor.u32 s15, v1  }
0x9f: {  	v2 =	vadd.s32 v2, v6;
	s24 =	simm.s32 $0x10;
	[tilespmem:v4+s18+$0x0] =	vst.idx.msk vm1, v3  }
0xa0: {  	s29 =	simm.s32 $0x80;
	s6 =	smov.u32 s15;
	v4 =	vmov v2;
	v3 =	vld [tilespmem:s24+$0x300]  }
.LBB2_6:
0xa1: {  	p0 =	sne.s32 s29, $0x3C0;
	_ =	sdelay $0x3  }
0xa2: {  	vm0 =	vgt.s32 v3, $0x1869F  }
0xa3: {  	v5 =	vsel vm0, $0x1, v0;
	v6 =	vmpcnt.ones.xlane vm0  }
0xa4: {  	(xrf0) =	vadd.scan.msk.s32 $0xffff, v5  }
0xa5: {  	v2 =	vadd.s32 v2, v6;
	_ =	sdelay $0x4  }
0xa6: {  	v5, _, _ =	vpop (xrf0)  }
0xa7: {  	v5 =	vadd.s32 v5, v4;
	v4 =	vmov v2  }
0xa8: {  	v5 =	vadd.s32 $0xFFFFFFFF, v5  }
0xa9: {  	v6 =	vshll.u32 v5, $0x3  }
0xaa: {  	v5 =	vand.u32 $0xF, v5;
	v6 =	vand.u32 $0xFFFFFF80, v6  }
0xab: {  	v5 =	vor.u32 v5, v6;
	_ =	sdelay $0x2  }
.Ltmp4:
0xac: {  	v6 =	vsel vm0, $0x0, v3;
	(pc) =	sbr.rel @p0 .LBB2_6-.Ltmp4, $4  }
0xad: {  	s6 =	sadd.s32 $0x10, s6;
	v3 =	vadd.s32 $0xFFFE7960, v3;
	[tilespmem:s24+$0x700] =	vst v6  }
0xae: {  	[tilespmem:v5+s17+$0x0] =	vst.idx.msk vm0, v3;
	v3 =	vor.u32 s6, v1  }
0xaf: {  	s24 =	sshra.s32 s29, $0x2;
	[tilespmem:v5+s18+$0x0] =	vst.idx.msk vm0, v3  }
0xb0: {  	s29 =	sadd.s32 $0x40, s29;
	v3 =	vld [tilespmem:s24+$0x300]  }
0xb1: {  	_ =	sdelay $0x3  }
0xb2: {  	vm0 =	vgt.s32 v3, $0x1869F  }
0xb3: {  	v5 =	vsel vm0, $0x1, v0  }
0xb4: {  	(xrf0) =	vadd.scan.msk.s32 $0xffff, v5;
	_ =	sdelay $0x5  }
0xb5: {  	v5, _, _ =	vpop (xrf0)  }
0xb6: {  	v4 =	vadd.s32 v5, v4  }
0xb7: {  	v4 =	vadd.s32 $0xFFFFFFFF, v4  }
0xb8: {  	v5 =	vshll.u32 v4, $0x3  }
0xb9: {  	v4 =	vand.u32 $0xF, v4;
	v5 =	vand.u32 $0xFFFFFF80, v5  }
0xba: {  	v4 =	vor.u32 v4, v5;
	_ =	sdelay $0x2  }
0xbb: {  	v5 =	vsel vm0, $0x0, v3  }
0xbc: {  	s6 =	sadd.s32 $0x10, s6;
	v3 =	vadd.s32 $0xFFFE7960, v3;
	[tilespmem:s24+$0x700] =	vst v5  }
0xbd: {  	[tilespmem:v4+s17+$0x0] =	vst.idx.msk vm0, v3;
	v3 =	vor.u32 s6, v1  }
0xbe: {  	s10 =	simm.s32 $0x600;
	s24 =	simm.s32 $0x0;
	[tilespmem:v4+s18+$0x0] =	vst.idx.msk vm0, v3  }
0xbf: {  	[tilespmem:s25], [sflag:$0x3] =	stream.indirect.gather [hbm4b:s1+s19], $0x80, s10, s19, $0xb8;
	[tilespmem:$0x1D800] =	vst v63  }
0xc0: {  	v3 =	vld [tilespmem:s24+$0x0];
	_ =	sdelay $0x4  }
0xc1: {  	vm1 =	vgt.s32 v3, $0x1869F  }
0xc2: {  	v4 =	vsel vm1, $0x1, v0  }
0xc3: {  	(xrf0) =	vadd.scan.msk.s32 $0xffff, v4;
	_ =	sdelay $0x1  }
0xc4: {  	v4 =	vmpcnt.ones.xlane vm0;
	_ =	sdelay $0x3  }
0xc5: {  	v2 =	vadd.s32 v2, v4;
	v4, _, _ =	vpop (xrf0)  }
0xc6: {  	v4 =	vadd.s32 v4, v2  }
0xc7: {  	v4 =	vadd.s32 $0xFFFFFFFF, v4  }
0xc8: {  	v5 =	vshll.u32 v4, $0x3  }
0xc9: {  	v4 =	vand.u32 $0xF, v4;
	v5 =	vand.u32 $0xFFFFFF80, v5  }
0xca: {  	v5 =	vor.u32 v4, v5;
	_ =	sdelay $0x3  }
0xcb: {  	v3 =	vadd.s32 $0xFFFE7960, v3  }
0xcc: {  	v4 =	vmpcnt.ones.xlane vm1;
	[tilespmem:v5+s17+$0x0] =	vst.idx.msk vm1, v3;
	v3 =	vor.u32 s22, v1;
	_ =	sdelay $0x1  }
0xcd: {  	s29 =	simm.s32 $0x10;
	v4 =	vadd.s32 v2, v4;
	[tilespmem:v5+s18+$0x0] =	vst.idx.msk vm1, v3  }
0xce: {  	s6 =	smov.u32 s22;
	s24 =	simm.s32 $0x80;
	v2 =	vld [tilespmem:s29+$0x0];
	v3 =	vmov v4  }
.LBB2_8:
0xcf: {  	p0 =	sne.s32 s24, $0x3C0;
	_ =	sdelay $0x3  }
0xd0: {  	vm0 =	vgt.s32 v2, $0x1869F  }
0xd1: {  	v5 =	vsel vm0, $0x1, v0;
	v6 =	vmpcnt.ones.xlane vm0  }
0xd2: {  	(xrf0) =	vadd.scan.msk.s32 $0xffff, v5  }
0xd3: {  	v4 =	vadd.s32 v4, v6;
	_ =	sdelay $0x4  }
0xd4: {  	v5, _, _ =	vpop (xrf0)  }
0xd5: {  	v5 =	vadd.s32 v5, v3;
	v3 =	vmov v4  }
0xd6: {  	v5 =	vadd.s32 $0xFFFFFFFF, v5  }
0xd7: {  	v6 =	vshll.u32 v5, $0x3  }
0xd8: {  	v5 =	vand.u32 $0xF, v5;
	v6 =	vand.u32 $0xFFFFFF80, v6  }
0xd9: {  	v5 =	vor.u32 v5, v6;
	_ =	sdelay $0x2  }
.Ltmp5:
0xda: {  	(pc) =	sbr.rel @p0 .LBB2_8-.Ltmp5, $4  }
0xdb: {  	s6 =	sadd.s32 $0x10, s6;
	v2 =	vadd.s32 $0xFFFE7960, v2  }
0xdc: {  	[tilespmem:v5+s17+$0x0] =	vst.idx.msk vm0, v2;
	v2 =	vor.u32 s6, v1  }
0xdd: {  	s29 =	sshra.s32 s24, $0x2;
	[tilespmem:v5+s18+$0x0] =	vst.idx.msk vm0, v2  }
0xde: {  	s24 =	sadd.s32 $0x40, s24;
	v2 =	vld [tilespmem:s29+$0x0]  }
0xdf: {  	_ =	sdelay $0x3  }
0xe0: {  	vm0 =	vgt.s32 v2, $0x1869F  }
0xe1: {  	v5 =	vmpcnt.ones.xlane vm0;
	_ =	sdelay $0x1  }
0xe2: {  	v6 =	vsel vm0, $0x1, v0;
	v4 =	vadd.s32 v4, v5  }
0xe3: {  	(xrf0) =	vadd.scan.msk.s32 $0xffff, v6;
	v5 =	vxor.u32 $0x80000000, v4  }
0xe4: {  	(xrf0) =	vmax.scan.msk.u32 $0xffff, v5;
	_ =	sdelay $0x4  }
0xe5: {  	v57, _, _ =	vpop (xrf0)  }
0xe6: {  	v58, _, _ =	vpop (xrf0)  }
0xe7: {  	(v2sf) =	vpush v58, $0xF;
	_ =	sdelay $0x2  }
0xe8: {  	v3 =	vadd.s32 v57, v3  }
0xe9: {  	v59 =	vadd.s32 $0xFFFFFFFF, v4;
	v3 =	vadd.s32 $0xFFFFFFFF, v3  }
0xea: {  	vm1 =	vgt.s32 v59, $0x0;
	v60 =	vshll.u32 v3, $0x3  }
0xeb: {  	v5 =	vnsel vm1, $0x0, v59;
	v3 =	vand.u32 $0xF, v3;
	v6 =	vand.u32 $0xFFFFFF80, v60  }
0xec: {  	v61 =	vshll.u32 v5, $0x3;
	v3 =	vor.u32 v3, v6  }
0xed: {  	v5 =	vand.u32 $0xF, v5;
	v6 =	vand.u32 $0xFFFFFF80, v61  }
0xee: {  	v5 =	vor.u32 v5, v6;
	_ =	sdelay $0x1  }
0xef: {  	s6 =	sadd.s32 $0x10, s6;
	v2 =	vadd.s32 $0xFFFE7960, v2;
	v62 =	vadd.s32 v1, v4  }
0xf0: {  	v7 =	vshll.u32 v62, $0x3;
	[tilespmem:v3+s17+$0x0] =	vst.idx.msk vm0, v2;
	v2 =	vor.u32 s6, v1  }
0xf1: {  	vm15 =	vgt.s32 v4, $0x0;
	[tilespmem:v3+s18+$0x0] =	vst.idx.msk vm0, v2;
	v2 =	vand.u32 $0xF, v62;
	v3 =	vand.u32 $0xFFFFFF80, v7  }
0xf2: {  	v63 =	vld.idx.msk [tilespmem:v5+s18+$0x0], $0xffff;
	v2 =	vor.u32 v2, v3  }
0xf3: {  	v3 =	vld.idx.msk [tilespmem:v5+s17+$0x0], $0xffff;
	s8 =	spop (v2sf)  }
0xf4: {  	s6 =	sadd.s32 $0x8000000F, s8  }
0xf5: {  	s24 =	sand.u32 $0xF, s6  }
0xf6: {  	s29 =	sshra.s32 s6, $0x1F;
	p0 =	slt.s32 s6, $0x1;
	p1 =	sne.s32 s24, $0x0  }
0xf7: {  	[tilespmem:v2+s18+$0x0] =	vst.idx.msk vm15, v63;
	s9 =	sshrl.u32 s29, $0x1C;
	p0 =	por !p0, !p1  }
0xf8: {  	[tilespmem:v2+s17+$0x0] =	vst.idx.msk vm15, v3;
	s24 =	simm.s32 $0x1;
	s6 =	sadd.s32 s9, s6;
	p0 =	por !p0, !p0  }
0xf9: {  	_ =	swait.ge [sflag:s26], $0x8000;
	s6 =	sshra.s32 s6, $0x4;
	s24 =	simm.s32 @!p0 $0x0  }
0xfa: {  	[sflag:s26] =	ssyncset.done $0x0;
	s24 =	ssub.s32 s6, s24  }
0xfb: {  	[sflag:s26] =	ssyncadd.s32 $0xFFFF8000;
	p1 =	slt.s32 s24, $0x1  }
0xfc: {  	s29 =	simm.s32 @!p1 $0x10;
	s8 =	simm.s32 @!p1 $0x1AC00;
	s9 =	simm.s32 @!p1 $0x1D000  }
0xfd: {  	[tilespmem:s9], [sflag:$0x4] =	stream.indirect.gather @!p1 [hbm4b:s3+s29], $0x80, s8, s29, $0xb8;
	[tilespmem:$0x1D800] =	vst v63  }
0xfe: {  	_ = 	snop  }
0xff: {  	[hbm4b:s7+s5] =	stream.linear.scatter [tilespmem:s21], [sflag:$0x1], $0x8000, $0x38;
	[tilespmem:$0x1D800] =	vst v63  }
0x100: {  	_ =	swait.ge [sflag:s28], $0x8000  }
0x101: {  	[sflag:s28] =	ssyncset.done $0x0  }
0x102: {  	s10 =	rddreg [dreg:$0x6];
	[sflag:s28] =	ssyncadd.s32 $0xFFFF8000  }
0x103: {  	[hbm4b:s10+s5] =	stream.linear.scatter [tilespmem:s23], [sflag:$0x2], $0x8000, $0x38;
	[tilespmem:$0x1D800] =	vst v63  }
0x104: {  	_ =	swait.ge [sflag:s26], $0x8000  }
0x105: {  	[sflag:s26] =	ssyncset.done $0x0  }
0x106: {  	s10 =	simm.s32 $0x700;
	[sflag:s26] =	ssyncadd.s32 $0xFFFF8000  }
0x107: {  	[tilespmem:s21], [sflag:$0x1] =	stream.indirect.gather [hbm4b:s1+s19], $0x80, s10, s19, $0xb8;
	[tilespmem:$0x1D800] =	vst v63  }
0x108: {  	_ =	swait.ge [sflag:s30], $0x8000  }
0x109: {  	[sflag:s30] =	ssyncset.done $0x0  }
0x10a: {  	s10 =	rddreg [dreg:$0x7];
	[sflag:s30] =	ssyncadd.s32 $0xFFFF8000  }
0x10b: {  	[hbm4b:s10+s5] =	stream.linear.scatter [tilespmem:s25], [sflag:$0x3], $0x8000, $0x38;
	[tilespmem:$0x1D800] =	vst v63  }
0x10c: {  	_ =	swait.ge [sflag:s26], $0x8000  }
0x10d: {  	[sflag:s26] =	ssyncset.done $0x0  }
0x10e: {  	[sflag:s26] =	ssyncadd.s32 $0xFFFF8000  }
0x10f: {  	[hbm4b:s11+s5] =	stream.linear.scatter [tilespmem:s21], [sflag:$0x1], $0x8000, $0x38;
	[tilespmem:$0x1D800] =	vst v63  }
0x110: {  	_ =	swait.ge [sflag:s28], $0x8000  }
0x111: {  	[sflag:s28] =	ssyncset.done $0x0  }
0x112: {  	[sflag:s28] =	ssyncadd.s32 $0xFFFF8000  }
0x113: {  	_ =	swait.ge [sflag:s30], $0x8000  }
0x114: {  	[sflag:s30] =	ssyncset.done $0x0  }
0x115: {  	[sflag:s30] =	ssyncadd.s32 $0xFFFF8000  }
0x116: {  	_ =	swait.ge [sflag:s26], $0x8000  }
0x117: {  	[sflag:s26] =	ssyncset.done $0x0  }
0x118: {  	s8 =	simm.s32 @!p1 $0x4;
	[sflag:s26] =	ssyncadd.s32 $0xFFFF8000  }
0x119: {  	p2 =	seq.s32 @!p1 s24, $0x1;
	_ =	swait.ge @!p1 [sflag:s8], $0x800  }
0x11a: {  	p2 =	por p1, p2;
	[sflag:s8] =	ssyncset.done @!p1 $0x0  }
.Ltmp6:
0x11b: {  	s10 =	simm.s32 @!p1 $0x18800;
	[sflag:s8] =	ssyncadd.s32 @!p1 $0xFFFFF800;
	(pc) =	sbr.rel @p2 .LBB2_13-.Ltmp6, $4  }
0x11c: {  	[hbm4b:s4+s29] =	stream.indirect.scatter @!p1 [tilespmem:s9], [sflag:$0x4], $0x80, s10, s29, $0xb8;
	[tilespmem:$0x1D800] =	vst v63  }
0x11d: {  	_ =	swait.ge @!p1 [sflag:s8], $0x800  }
0x11e: {  	[sflag:s8] =	ssyncset.done @!p1 $0x0  }
0x11f: {  	[sflag:s8] =	ssyncadd.s32 @!p1 $0xFFFFF800  }
0x120: {  	s8 =	simm.s32 $0xFFFFFFFF;
	s24 =	simm.s32 $0x1AC80  }
0x121: {  	[tilespmem:s0], [sflag:$0x4] =	stream.indirect.gather [hbm4b:s3+s31], $0x80, s24, s31, $0xb8;
	[tilespmem:$0x1D800] =	vst v63  }
0x122: {  	s8 =	simm.s32 @!p0 $0x0  }
0x123: {  	s6 =	sadd.s32 s8, s6  }
0x124: {  	s8 =	sadd.s32 $0xFFFFFFFF, s6  }
0x125: {  	_ =	swait.ge [sflag:s2], $0x800;
	p0 =	sne.s32 s8, $0x1  }
.Ltmp7:
0x126: {  	[sflag:s2] =	ssyncset.done $0x0;
	(pc) =	sbr.rel @!p0 .LBB2_12-.Ltmp7, $4  }
0x127: {  	s6 =	simm.s32 $0x18880;
	[sflag:s2] =	ssyncadd.s32 $0xFFFFF800  }
0x128: {  	[hbm4b:s4+s31] =	stream.indirect.scatter [tilespmem:s0], [sflag:$0x4], $0x80, s6, s31, $0xb8;
	[tilespmem:$0x1D800] =	vst v63  }
0x129: {  	_ =	swait.ge [sflag:s2], $0x800  }
0x12a: {  	s29 =	sadd.s32 $0xFFFFFFFF, s8;
	[sflag:s2] =	ssyncset.done $0x0  }
.LBB2_11:
0x12b: {  	[sflag:s2] =	ssyncadd.s32 $0xFFFFF800;
	s24 =	sadd.s32 $0x80, s24;
	s6 =	sadd.s32 $0x80, s6  }
0x12c: {  	[tilespmem:s0], [sflag:$0x4] =	stream.indirect.gather [hbm4b:s3+s31], $0x80, s24, s31, $0xb8;
	[tilespmem:$0x1D800] =	vst v63  }
0x12d: {  	p0 =	sne.s32 s29, $0x1;
	s29 =	sadd.s32 $0xFFFFFFFF, s29;
	_ =	swait.ge [sflag:s2], $0x800  }
.Ltmp8:
0x12e: {  	[sflag:s2] =	ssyncset.done $0x0;
	(pc) =	sbr.rel @p0 .LBB2_11-.Ltmp8, $4  }
0x12f: {  	[sflag:s2] =	ssyncadd.s32 $0xFFFFF800  }
0x130: {  	[hbm4b:s4+s31] =	stream.indirect.scatter [tilespmem:s0], [sflag:$0x4], $0x80, s6, s31, $0xb8;
	[tilespmem:$0x1D800] =	vst v63  }
0x131: {  	_ =	swait.ge [sflag:s2], $0x800  }
0x132: {  	[sflag:s2] =	ssyncset.done $0x0  }
.Ltmp9:
0x133: {  	_ = 	snop;
	(pc) =	sbr.rel .LBB2_12-.Ltmp9, $1  }
0x134: {  	_ =	sdelay $0x3  }
.LBB2_14:
0x135: {  	_ =	sfence.sel $0x180000  }
0x136: {  	[bflag:$0x0] =	sbarrier.arrive $0xFFFF  }
0x137: {  	_ =	strace $0x90000047  }
0x138: {  	s0 =	stileid.u32;
	[bflag:$0x2] =	sbarrier.arrive $0xFFFF  }
0x139: {  	p0 =	sne.s32 s0, $0x0;
	s0 =	rddreg [dreg:$0x4]  }
0x13a: {  	s0 =	sadd.s32 @!p0 $0x100000, s0  }
0x13b: {  	[sflag:s0] =	ssyncadd.tile.s32 @!p0 $0x1;
	_ =	shalt  }
.Lfunc_end2:
_tile_overlayer_lowered:
.L_overlay_start_2:
0x13c: {  	(tag) =	ssettag $0x2  }
0x13d: {  	s0 =	rddreg [dreg:$0x0];
	s2 =	stileid.u32  }
0x13e: {  	s1 =	rddreg [dreg:$0x1];
	p0 =	sne.s32 s2, $0x0  }
0x13f: {  	s3 =	rddreg [dreg:$0x2];
	[bflag:$0x3] =	sbarrier.arrive $0xFFFF;
	s2 =	simm.s32 @!p0 $0x1C05  }
0x140: {  	[timem:s3], [sflag:s2] =	dma.local @!p0 [hbm:s0], s1  }
0x141: {  	s0 =	simm.s32 @!p0 $0x5  }
0x142: {  	_ =	swait.ge @!p0 [sflag:s0], s1  }
0x143: {  	s1 =	ssub.s32 @!p0 $0x0, s1;
	[sflag:s0] =	ssyncset.done @!p0 $0x0  }
0x144: {  	[sflag:s0] =	ssyncadd.s32 @!p0 s1  }
0x145: {  	[bflag:$0x3] =	sbarrier.arrive $0xFFFF  }
0x146: {  	_ =	shalt  }

</sc_bundles>
